<compile_context>
chip_gen: v7x
topology: tpu7x:2x2x1
jax: 0.10.2.dev20260603
libtpu: 0.0.44.dev20260713+nightly
codegen_flags: <defaults>
</compile_context>

<pallas_src>
import dataclasses
import functools

import jax
import jax.numpy as jnp
from jax import lax
from jax.experimental import pallas as pl
from jax.experimental.pallas import tpu as pltpu
from jax.experimental.pallas import tpu_sc as plsc

N = 10000
E = 320000
D = 128

NC = 2
NS = 16
NW = NC * NS
K = 128
CH = 80
E_PAD = NW * CH * K
N_PAD = 10240
PAD_ROWS = N_PAD - N
RPT = N_PAD // NS

_mesh = plsc.VectorSubcoreMesh(core_axis_name="c", subcore_axis_name="s")

_sc_cp = pltpu.CompilerParams()
if "needs_layout_passes" in pltpu.CompilerParams.__dataclass_fields__:
    _sc_cp = dataclasses.replace(_sc_cp, needs_layout_passes=False)
_sc_linear_cp = pltpu.CompilerParams(use_tc_tiling_on_sc=False)


DCH = E // K // NW
DEXTRA = E // K - DCH * NW


@functools.partial(
    pl.kernel,
    out_type=jax.ShapeDtypeStruct((NC, N_PAD, 16), jnp.float32),
    mesh=_mesh,
    scratch_types=[
        pltpu.VMEM((DCH + 1, K), jnp.int32),
        pltpu.VMEM((K, 16), jnp.float32),
        pltpu.VMEM_SHARED((N_PAD, 16), jnp.float32),
    ],
    compiler_params=_sc_linear_cp,
)
def _sc_degree(didx_hbm, ones_hbm, zeros16_hbm, out_hbm, didx_v, ones_v, dsh):
    c = lax.axis_index("c")
    s = lax.axis_index("s")
    w = c * NS + s
    base = s * RPT
    pltpu.sync_copy(didx_hbm.at[pl.ds(w * DCH, DCH)],
                    didx_v.at[pl.ds(0, DCH)])

    @pl.when(w < DEXTRA)
    def _():
        pltpu.sync_copy(didx_hbm.at[pl.ds(NW * DCH + w, 1)],
                        didx_v.at[pl.ds(DCH, 1)])

    pltpu.sync_copy(ones_hbm, ones_v)
    pltpu.sync_copy(zeros16_hbm, dsh.at[pl.ds(base, RPT)])
    plsc.subcore_barrier()

    @pl.loop(0, DCH)
    def _(ci):
        pltpu.sync_copy(ones_v, dsh.at[didx_v.at[ci]], add=True)

    @pl.when(w < DEXTRA)
    def _():
        pltpu.sync_copy(ones_v, dsh.at[didx_v.at[DCH]], add=True)

    plsc.subcore_barrier()
    pltpu.sync_copy(dsh.at[pl.ds(base, RPT)],
                    out_hbm.at[c].at[pl.ds(base, RPT)])


DH = D // NC
CH2 = CH * 2
NP2 = N_PAD // 2


@functools.partial(
    pl.kernel,
    out_type=jax.ShapeDtypeStruct((NC, N_PAD, DH), jnp.float32),
    mesh=_mesh,
    scratch_types=[
        pltpu.VMEM((CH2, K), jnp.int32),
        pltpu.VMEM((CH2, K), jnp.int32),
        pltpu.VMEM((K, DH), jnp.float32),
        pltpu.VMEM((K, DH), jnp.float32),
        pltpu.VMEM((K, DH), jnp.float32),
        pltpu.VMEM((K, DH), jnp.float32),
        pltpu.VMEM_SHARED((N_PAD, DH), jnp.float32),
        pltpu.SemaphoreType.DMA,
        pltpu.SemaphoreType.DMA,
        pltpu.SemaphoreType.DMA,
        pltpu.SemaphoreType.DMA,
        pltpu.SemaphoreType.DMA,
        pltpu.SemaphoreType.DMA,
        pltpu.SemaphoreType.DMA,
        pltpu.SemaphoreType.DMA,
    ],
    compiler_params=_sc_linear_cp,
)
def _sc_aggregate(y_hbm, sidx_hbm, didx_hbm, out_hbm,
                  sidx_v, didx_v, g0, g1, g2, g3, zsh,
                  gs0, gs1, gs2, gs3, ss0, ss1, ss2, ss3):
    c = lax.axis_index("c")
    s = lax.axis_index("s")
    base = s * RPT
    yc = y_hbm.at[c]
    oc = out_hbm.at[c]
    pltpu.sync_copy(sidx_hbm.at[pl.ds(2 * s * CH, CH2)], sidx_v)
    pltpu.sync_copy(didx_hbm.at[pl.ds(2 * s * CH, CH2)], didx_v)

    pltpu.sync_copy(yc.at[pl.ds(base, RPT)], zsh.at[pl.ds(base, RPT)])
    plsc.subcore_barrier()

    bufs = (g0, g1, g2, g3)
    gsems = (gs0, gs1, gs2, gs3)
    ssems = (ss0, ss1, ss2, ss3)

    for j in range(4):
        pltpu.make_async_copy(yc.at[sidx_v.at[j]], bufs[j], gsems[j]).start()

    @pl.loop(0, CH2, step=4)
    def _(ci):
        for j in range(4):
            cj = ci + j
            pltpu.make_async_copy(yc.at[sidx_v.at[cj]], bufs[j],
                                  gsems[j]).wait()
            pltpu.make_async_copy(bufs[j], zsh.at[didx_v.at[cj]],
                                  ssems[j]).start(add=True)

        for j in range(4):
            cj = ci + j + 4

            @pl.when(cj < CH2)
            def _():
                pltpu.make_async_copy(bufs[j], zsh.at[didx_v.at[0]],
                                      ssems[j]).wait()
                pltpu.make_async_copy(yc.at[sidx_v.at[cj]], bufs[j],
                                      gsems[j]).start()

    for j in range(4):
        pltpu.make_async_copy(bufs[j], zsh.at[didx_v.at[0]], ssems[j]).wait()

    plsc.subcore_barrier()
    pltpu.sync_copy(zsh.at[pl.ds(base, RPT)], oc.at[pl.ds(base, RPT)])


_BLK = 2048
_GRID = N_PAD // _BLK


_HB = _BLK // 2


def _split(t):
    return jnp.stack(
        [jnp.concatenate([t[:_HB, :DH], t[_HB:, :DH]], axis=1),
         jnp.concatenate([t[:_HB, DH:], t[_HB:, DH:]], axis=1)], axis=0)


def _unsplit(z0, z1):
    return jnp.concatenate(
        [jnp.concatenate([z0[:, :DH], z1[:, :DH]], axis=1),
         jnp.concatenate([z0[:, DH:], z1[:, DH:]], axis=1)], axis=0)


def _mm_scale_body(x_ref, w_ref, deg_ref, y_ref, dinv_ref):
    deg = deg_ref[0, :, 0:1] + deg_ref[1, :, 0:1] + 1.0
    dv = lax.rsqrt(deg)
    dinv_ref[...] = dv
    xw = jnp.dot(x_ref[...], w_ref[...], preferred_element_type=jnp.float32)
    y_ref[...] = _split(xw * dv)


def _tc_mm_scale(x, w, degp):
    return pl.pallas_call(
        _mm_scale_body,
        grid=(_GRID,),
        in_specs=[
            pl.BlockSpec((_BLK, D), lambda i: (i, 0)),
            pl.BlockSpec((D, D), lambda i: (0, 0)),
            pl.BlockSpec((NC, _BLK, 16), lambda i: (0, i, 0)),
        ],
        out_specs=[
            pl.BlockSpec((NC, _BLK // 2, D), lambda i: (0, i, 0)),
            pl.BlockSpec((_BLK, 1), lambda i: (i, 0)),
        ],
        out_shape=[
            jax.ShapeDtypeStruct((NC, NP2, D), jnp.float32),
            jax.ShapeDtypeStruct((N_PAD, 1), jnp.float32),
        ],
    )(x, w, degp)


def _mid_body(z_ref, dinv_ref, b_ref, w_ref, y2_ref):
    dv = dinv_ref[...]
    z = _unsplit(z_ref[0], z_ref[1])
    h = z * dv + b_ref[...]
    h = jnp.maximum(h, 0.0)
    y2 = jnp.dot(h, w_ref[...], preferred_element_type=jnp.float32) * dv
    y2_ref[...] = _split(y2)


def _tc_mid(z, dinv, b, w):
    return pl.pallas_call(
        _mid_body,
        grid=(_GRID,),
        in_specs=[
            pl.BlockSpec((NC, _BLK // 2, D), lambda i: (0, i, 0)),
            pl.BlockSpec((_BLK, 1), lambda i: (i, 0)),
            pl.BlockSpec((1, D), lambda i: (0, 0)),
            pl.BlockSpec((D, D), lambda i: (0, 0)),
        ],
        out_specs=pl.BlockSpec((NC, _BLK // 2, D), lambda i: (0, i, 0)),
        out_shape=jax.ShapeDtypeStruct((NC, NP2, D), jnp.float32),
    )(z, dinv, b, w)


def _final_body(z_ref, dinv_ref, b_ref, o_ref):
    z = _unsplit(z_ref[0], z_ref[1])
    o_ref[...] = z * dinv_ref[...] + b_ref[...]


def _tc_final(z, dinv, b):
    return pl.pallas_call(
        _final_body,
        grid=(_GRID,),
        in_specs=[
            pl.BlockSpec((NC, _HB, D), lambda i: (0, i, 0)),
            pl.BlockSpec((_BLK, 1), lambda i: (i, 0)),
            pl.BlockSpec((1, D), lambda i: (0, 0)),
        ],
        out_specs=pl.BlockSpec((_BLK, D), lambda i: (i, 0)),
        out_shape=jax.ShapeDtypeStruct((N, D), jnp.float32),
    )(z, dinv, b)


def kernel(x, edge_index, W1, b1, W2, b2):
    src = edge_index[0].astype(jnp.int32)
    dst = edge_index[1].astype(jnp.int32)
    pad_idx = N + (jnp.arange(E_PAD - E, dtype=jnp.int32) % PAD_ROWS)

    def _perm(idx):
        l = idx % _BLK
        return (idx - l) + jnp.where(l < _HB, 2 * l, 2 * (l - _HB) + 1)

    srcp = _perm(jnp.concatenate([src, pad_idx])).reshape(NW * CH, K)
    dstp = _perm(jnp.concatenate([dst, pad_idx])).reshape(NW * CH, K)
    dst_deg = dst.reshape(E // K, K)
    x_pad = jnp.pad(x, ((0, N_PAD - N), (0, 0)))
    ones16 = jnp.ones((K, 16), jnp.float32)
    zeros16 = jnp.zeros((RPT, 16), jnp.float32)
    b1r = b1.reshape(1, D)
    b2r = b2.reshape(1, D)

    degp = _sc_degree(dst_deg, ones16, zeros16)
    y1, dinv = _tc_mm_scale(x_pad, W1, degp)
    z1 = _sc_aggregate(y1.reshape(NC, N_PAD, DH), srcp, dstp)
    y2 = _tc_mid(z1.reshape(NC, NP2, D), dinv, b1r, W2)
    z2 = _sc_aggregate(y2.reshape(NC, N_PAD, DH), srcp, dstp)
    return _tc_final(z2.reshape(NC, NP2, D), dinv, b2r)

# --- scband reference (transcript-rebuilt; emitter-appended) ---
"""Pipeline reference for scband-gcn-20624432955885 (READ-ONLY COPY).

The authoritative reference and input builder live on the scoring server;
editing this copy changes nothing except your own understanding.
"""

import jax, jax.numpy as jnp
import numpy as np

N = 10000
E = 320000
D_IN = 128
D_HID = 128
D_OUT = 128


def gcn_conv(x, edge_index, W, b, num_nodes):
    # GCNConv: out = D^{-1/2} (A + I) D^{-1/2} X W + b
    src = edge_index[0]
    dst = edge_index[1]
    loop = jnp.arange(num_nodes, dtype=edge_index.dtype)
    src = jnp.concatenate([src, loop])
    dst = jnp.concatenate([dst, loop])
    deg = jax.ops.segment_sum(jnp.ones(src.shape[0], dtype=x.dtype), dst, num_segments=num_nodes)
    dinv = jnp.where(deg > 0, jax.lax.rsqrt(deg), 0.0)
    norm = dinv[src] * dinv[dst]
    xw = x @ W
    msgs = xw[src] * norm[:, None]
    out = jax.ops.segment_sum(msgs, dst, num_segments=num_nodes)
    return out + b


def setup_inputs(seed: int = 0) -> dict:
    key = jax.random.key(seed)
    k1, k2, k3, k4, k5 = jax.random.split(key, 5)
    x = jax.random.normal(k1, (N, D_IN), dtype=jnp.float32)
    edge_index = jax.random.randint(k2, (2, E), 0, N, dtype=jnp.int64)
    W1 = jax.random.normal(k3, (D_IN, D_HID), dtype=jnp.float32) * 0.05
    b1 = jnp.zeros((D_HID,), dtype=jnp.float32)
    W2 = jax.random.normal(k4, (D_HID, D_OUT), dtype=jnp.float32) * 0.05
    b2 = jnp.zeros((D_OUT,), dtype=jnp.float32)
    return {"x": x, "edge_index": edge_index, "W1": W1, "b1": b1, "W2": W2, "b2": b2}


def reference(x, edge_index, W1, b1, W2, b2):
    h = gcn_conv(x, edge_index, W1, b1, N)
    h = jax.nn.relu(h)
    out = gcn_conv(h, edge_index, W2, b2, N)
    return out

if __name__ == "__main__":
    import jax
    _d = setup_inputs()
    print(jax.jit(kernel)(*tuple(_d.values())))

</pallas_src>

<mosaic_0001>
#map = affine_map<(d0, d1) -> (0, 0, 0)>
#map1 = affine_map<(d0, d1) -> (0, 0)>
module attributes {stable_mosaic.version = 14 : i64} {
  func.func @_sc_aggregate(%arg0: i32, %arg1: i32, %arg2: memref<2x10240x64xf32, #tpu.memory_space<hbm>>, %arg3: memref<2560x128xi32, #tpu.memory_space<hbm>>, %arg4: memref<2560x128xi32, #tpu.memory_space<hbm>>, %arg5: memref<2x10240x64xf32, #tpu.memory_space<hbm>>, %arg6: memref<160x128xi32, #tpu.memory_space<vmem>>, %arg7: memref<160x128xi32, #tpu.memory_space<vmem>>, %arg8: memref<128x64xf32, #tpu.memory_space<vmem>>, %arg9: memref<128x64xf32, #tpu.memory_space<vmem>>, %arg10: memref<128x64xf32, #tpu.memory_space<vmem>>, %arg11: memref<128x64xf32, #tpu.memory_space<vmem>>, %arg12: memref<10240x64xf32, #tpu.memory_space<vmem_shared>>, %arg13: memref<!tpu.dma_semaphore, #tpu.memory_space<semaphore_mem>>, %arg14: memref<!tpu.dma_semaphore, #tpu.memory_space<semaphore_mem>>, %arg15: memref<!tpu.dma_semaphore, #tpu.memory_space<semaphore_mem>>, %arg16: memref<!tpu.dma_semaphore, #tpu.memory_space<semaphore_mem>>, %arg17: memref<!tpu.dma_semaphore, #tpu.memory_space<semaphore_mem>>, %arg18: memref<!tpu.dma_semaphore, #tpu.memory_space<semaphore_mem>>, %arg19: memref<!tpu.dma_semaphore, #tpu.memory_space<semaphore_mem>>, %arg20: memref<!tpu.dma_semaphore, #tpu.memory_space<semaphore_mem>>) attributes {dimension_semantics = [#tpu.dimension_semantics<core_parallel>, #tpu.dimension_semantics<subcore_parallel>], iteration_bounds = array<i64: 2, 16>, scalar_prefetch = 0 : i64, scratch_operands = 15 : i64, tpu.core_type = #tpu.core_type<sc_vector_subcore>, window_params = [{transform_indices = #map}, {transform_indices = #map1}, {transform_indices = #map1}, {transform_indices = #map}]} {
    %mul3A = arith.constant 640 : i32
    %mul3A_0 = arith.muli %arg1, %mul3A : i32
    %mul3A_1 = arith.constant 2 : i32
    %mul3A_2 = arith.muli %mul3A_1, %arg1 : i32
    %mul3A_3 = arith.constant 80 : i32
    %mul3A_4 = arith.muli %mul3A_2, %mul3A_3 : i32
    "tpu.region"() ({
      %run_scoped3A = tpu.sem_alloc : memref<!tpu.dma_semaphore, #tpu.memory_space<semaphore_mem>>
      %dma_start3A_84 = arith.constant 0 : i32
      %dma_start3A_85 = tpu.memref_slice %arg3[%mul3A_4, %dma_start3A_84] : memref<2560x128xi32, #tpu.memory_space<hbm>> -> memref<160x128xi32, #tpu.memory_space<hbm>>
      %dma_start3A_86 = arith.constant 0 : i32
      %dma_start3A_87 = tpu.memref_slice %arg3[%mul3A_4, %dma_start3A_86] : memref<2560x128xi32, #tpu.memory_space<hbm>> -> memref<160x128xi32, #tpu.memory_space<hbm>>
      tpu.enqueue_dma source(%dma_start3A_87 : memref<160x128xi32, #tpu.memory_space<hbm>>) target(%arg6 : memref<160x128xi32, #tpu.memory_space<vmem>>) target_semaphore(%run_scoped3A : memref<!tpu.dma_semaphore, #tpu.memory_space<semaphore_mem>>)
      %dma_wait3A_88 = arith.constant 0 : i32
      %dma_wait3A_89 = tpu.memref_slice %arg3[%mul3A_4, %dma_wait3A_88] : memref<2560x128xi32, #tpu.memory_space<hbm>> -> memref<160x128xi32, #tpu.memory_space<hbm>>
      %dma_wait3A_90 = arith.constant 0 : i32
      %dma_wait3A_91 = tpu.memref_slice %arg3[%mul3A_4, %dma_wait3A_90] : memref<2560x128xi32, #tpu.memory_space<hbm>> -> memref<160x128xi32, #tpu.memory_space<hbm>>
      tpu.wait_dma2 semaphore(%run_scoped3A : memref<!tpu.dma_semaphore, #tpu.memory_space<semaphore_mem>>) src(%dma_wait3A_91 : memref<160x128xi32, #tpu.memory_space<hbm>>) dst(%arg6 : memref<160x128xi32, #tpu.memory_space<vmem>>)
      tpu.yield
    }) : () -> ()
    %mul3A_5 = arith.constant 2 : i32
    %mul3A_6 = arith.muli %mul3A_5, %arg1 : i32
    %mul3A_7 = arith.constant 80 : i32
    %mul3A_8 = arith.muli %mul3A_6, %mul3A_7 : i32
    "tpu.region"() ({
      %run_scoped3A = tpu.sem_alloc : memref<!tpu.dma_semaphore, #tpu.memory_space<semaphore_mem>>
      %dma_start3A_84 = arith.constant 0 : i32
      %dma_start3A_85 = tpu.memref_slice %arg4[%mul3A_8, %dma_start3A_84] : memref<2560x128xi32, #tpu.memory_space<hbm>> -> memref<160x128xi32, #tpu.memory_space<hbm>>
      %dma_start3A_86 = arith.constant 0 : i32
      %dma_start3A_87 = tpu.memref_slice %arg4[%mul3A_8, %dma_start3A_86] : memref<2560x128xi32, #tpu.memory_space<hbm>> -> memref<160x128xi32, #tpu.memory_space<hbm>>
      tpu.enqueue_dma source(%dma_start3A_87 : memref<160x128xi32, #tpu.memory_space<hbm>>) target(%arg7 : memref<160x128xi32, #tpu.memory_space<vmem>>) target_semaphore(%run_scoped3A : memref<!tpu.dma_semaphore, #tpu.memory_space<semaphore_mem>>)
      %dma_wait3A_88 = arith.constant 0 : i32
      %dma_wait3A_89 = tpu.memref_slice %arg4[%mul3A_8, %dma_wait3A_88] : memref<2560x128xi32, #tpu.memory_space<hbm>> -> memref<160x128xi32, #tpu.memory_space<hbm>>
      %dma_wait3A_90 = arith.constant 0 : i32
      %dma_wait3A_91 = tpu.memref_slice %arg4[%mul3A_8, %dma_wait3A_90] : memref<2560x128xi32, #tpu.memory_space<hbm>> -> memref<160x128xi32, #tpu.memory_space<hbm>>
      tpu.wait_dma2 semaphore(%run_scoped3A : memref<!tpu.dma_semaphore, #tpu.memory_space<semaphore_mem>>) src(%dma_wait3A_91 : memref<160x128xi32, #tpu.memory_space<hbm>>) dst(%arg7 : memref<160x128xi32, #tpu.memory_space<vmem>>)
      tpu.yield
    }) : () -> ()
    "tpu.region"() ({
      %run_scoped3A = tpu.sem_alloc : memref<!tpu.dma_semaphore, #tpu.memory_space<semaphore_mem>>
      %dma_start3A_84 = arith.constant 0 : i32
      %dma_start3A_85 = tpu.memref_slice %arg12[%mul3A_0, %dma_start3A_84] : memref<10240x64xf32, #tpu.memory_space<vmem_shared>> -> memref<640x64xf32, #tpu.memory_space<vmem_shared>>
      %dma_start3A_86 = arith.constant 0 : i32
      %dma_start3A_87 = arith.constant 0 : i32
      %dma_start3A_88 = tpu.memref_slice %arg2[%arg0, %dma_start3A_86, %dma_start3A_87] : memref<2x10240x64xf32, #tpu.memory_space<hbm>> -> memref<1x10240x64xf32, #tpu.memory_space<hbm>>
      %dma_start3A_89 = tpu.memref_squeeze %dma_start3A_88 : memref<1x10240x64xf32, #tpu.memory_space<hbm>> -> memref<10240x64xf32, #tpu.memory_space<hbm>>
      %dma_start3A_90 = arith.constant 0 : i32
      %dma_start3A_91 = tpu.memref_slice %dma_start3A_89[%mul3A_0, %dma_start3A_90] : memref<10240x64xf32, #tpu.memory_space<hbm>> -> memref<640x64xf32, #tpu.memory_space<hbm>>
      tpu.enqueue_dma source(%dma_start3A_91 : memref<640x64xf32, #tpu.memory_space<hbm>>) target(%dma_start3A_85 : memref<640x64xf32, #tpu.memory_space<vmem_shared>>) target_semaphore(%run_scoped3A : memref<!tpu.dma_semaphore, #tpu.memory_space<semaphore_mem>>)
      %dma_wait3A_92 = arith.constant 0 : i32
      %dma_wait3A_93 = tpu.memref_slice %arg12[%mul3A_0, %dma_wait3A_92] : memref<10240x64xf32, #tpu.memory_space<vmem_shared>> -> memref<640x64xf32, #tpu.memory_space<vmem_shared>>
      %dma_wait3A_94 = arith.constant 0 : i32
      %dma_wait3A_95 = arith.constant 0 : i32
      %dma_wait3A_96 = tpu.memref_slice %arg2[%arg0, %dma_wait3A_94, %dma_wait3A_95] : memref<2x10240x64xf32, #tpu.memory_space<hbm>> -> memref<1x10240x64xf32, #tpu.memory_space<hbm>>
      %dma_wait3A_97 = tpu.memref_squeeze %dma_wait3A_96 : memref<1x10240x64xf32, #tpu.memory_space<hbm>> -> memref<10240x64xf32, #tpu.memory_space<hbm>>
      %dma_wait3A_98 = arith.constant 0 : i32
      %dma_wait3A_99 = tpu.memref_slice %dma_wait3A_97[%mul3A_0, %dma_wait3A_98] : memref<10240x64xf32, #tpu.memory_space<hbm>> -> memref<640x64xf32, #tpu.memory_space<hbm>>
      tpu.wait_dma2 semaphore(%run_scoped3A : memref<!tpu.dma_semaphore, #tpu.memory_space<semaphore_mem>>) src(%dma_wait3A_99 : memref<640x64xf32, #tpu.memory_space<hbm>>) dst(%dma_wait3A_93 : memref<640x64xf32, #tpu.memory_space<vmem_shared>>)
      tpu.yield
    }) : () -> ()
    %barrier3A = arith.constant 0 : index
    tpu.barrier barrier_id(%barrier3A)
    %dma_start3A = arith.constant 0 : i32
    %dma_start3A_9 = arith.constant 0 : i32
    %dma_start3A_10 = tpu.memref_slice %arg6[%dma_start3A, %dma_start3A_9] : memref<160x128xi32, #tpu.memory_space<vmem>> -> memref<1x128xi32, #tpu.memory_space<vmem>>
    %dma_start3A_11 = tpu.memref_squeeze %dma_start3A_10 : memref<1x128xi32, #tpu.memory_space<vmem>> -> memref<128xi32, #tpu.memory_space<vmem>>
    %dma_start3A_12 = arith.constant 0 : i32
    %dma_start3A_13 = arith.constant 0 : i32
    %dma_start3A_14 = tpu.memref_slice %arg2[%arg0, %dma_start3A_12, %dma_start3A_13] : memref<2x10240x64xf32, #tpu.memory_space<hbm>> -> memref<1x10240x64xf32, #tpu.memory_space<hbm>>
    %dma_start3A_15 = tpu.memref_squeeze %dma_start3A_14 : memref<1x10240x64xf32, #tpu.memory_space<hbm>> -> memref<10240x64xf32, #tpu.memory_space<hbm>>
    %dma_start3A_16 = arith.constant 0 : i32
    %dma_start3A_17 = arith.constant 0 : i32
    %dma_start3A_18 = tpu.memref_slice %dma_start3A_15[%dma_start3A_16, %dma_start3A_17] : memref<10240x64xf32, #tpu.memory_space<hbm>> -> memref<10240x64xf32, #tpu.memory_space<hbm>>
    tpu.enqueue_indirect_dma source(%dma_start3A_18 : memref<10240x64xf32, #tpu.memory_space<hbm>>) target(%arg8 : memref<128x64xf32, #tpu.memory_space<vmem>>) offsets(%dma_start3A_11 : memref<128xi32, #tpu.memory_space<vmem>>) semaphore(%arg13 : memref<!tpu.dma_semaphore, #tpu.memory_space<semaphore_mem>>)
    %dma_start3A_19 = arith.constant 1 : i32
    %dma_start3A_20 = arith.constant 0 : i32
    %dma_start3A_21 = tpu.memref_slice %arg6[%dma_start3A_19, %dma_start3A_20] : memref<160x128xi32, #tpu.memory_space<vmem>> -> memref<1x128xi32, #tpu.memory_space<vmem>>
    %dma_start3A_22 = tpu.memref_squeeze %dma_start3A_21 : memref<1x128xi32, #tpu.memory_space<vmem>> -> memref<128xi32, #tpu.memory_space<vmem>>
    %dma_start3A_23 = arith.constant 0 : i32
    %dma_start3A_24 = arith.constant 0 : i32
    %dma_start3A_25 = tpu.memref_slice %arg2[%arg0, %dma_start3A_23, %dma_start3A_24] : memref<2x10240x64xf32, #tpu.memory_space<hbm>> -> memref<1x10240x64xf32, #tpu.memory_space<hbm>>
    %dma_start3A_26 = tpu.memref_squeeze %dma_start3A_25 : memref<1x10240x64xf32, #tpu.memory_space<hbm>> -> memref<10240x64xf32, #tpu.memory_space<hbm>>
    %dma_start3A_27 = arith.constant 0 : i32
    %dma_start3A_28 = arith.constant 0 : i32
    %dma_start3A_29 = tpu.memref_slice %dma_start3A_26[%dma_start3A_27, %dma_start3A_28] : memref<10240x64xf32, #tpu.memory_space<hbm>> -> memref<10240x64xf32, #tpu.memory_space<hbm>>
    tpu.enqueue_indirect_dma source(%dma_start3A_29 : memref<10240x64xf32, #tpu.memory_space<hbm>>) target(%arg9 : memref<128x64xf32, #tpu.memory_space<vmem>>) offsets(%dma_start3A_22 : memref<128xi32, #tpu.memory_space<vmem>>) semaphore(%arg14 : memref<!tpu.dma_semaphore, #tpu.memory_space<semaphore_mem>>)
    %dma_start3A_30 = arith.constant 2 : i32
    %dma_start3A_31 = arith.constant 0 : i32
    %dma_start3A_32 = tpu.memref_slice %arg6[%dma_start3A_30, %dma_start3A_31] : memref<160x128xi32, #tpu.memory_space<vmem>> -> memref<1x128xi32, #tpu.memory_space<vmem>>
    %dma_start3A_33 = tpu.memref_squeeze %dma_start3A_32 : memref<1x128xi32, #tpu.memory_space<vmem>> -> memref<128xi32, #tpu.memory_space<vmem>>
    %dma_start3A_34 = arith.constant 0 : i32
    %dma_start3A_35 = arith.constant 0 : i32
    %dma_start3A_36 = tpu.memref_slice %arg2[%arg0, %dma_start3A_34, %dma_start3A_35] : memref<2x10240x64xf32, #tpu.memory_space<hbm>> -> memref<1x10240x64xf32, #tpu.memory_space<hbm>>
    %dma_start3A_37 = tpu.memref_squeeze %dma_start3A_36 : memref<1x10240x64xf32, #tpu.memory_space<hbm>> -> memref<10240x64xf32, #tpu.memory_space<hbm>>
    %dma_start3A_38 = arith.constant 0 : i32
    %dma_start3A_39 = arith.constant 0 : i32
    %dma_start3A_40 = tpu.memref_slice %dma_start3A_37[%dma_start3A_38, %dma_start3A_39] : memref<10240x64xf32, #tpu.memory_space<hbm>> -> memref<10240x64xf32, #tpu.memory_space<hbm>>
    tpu.enqueue_indirect_dma source(%dma_start3A_40 : memref<10240x64xf32, #tpu.memory_space<hbm>>) target(%arg10 : memref<128x64xf32, #tpu.memory_space<vmem>>) offsets(%dma_start3A_33 : memref<128xi32, #tpu.memory_space<vmem>>) semaphore(%arg15 : memref<!tpu.dma_semaphore, #tpu.memory_space<semaphore_mem>>)
    %dma_start3A_41 = arith.constant 3 : i32
    %dma_start3A_42 = arith.constant 0 : i32
    %dma_start3A_43 = tpu.memref_slice %arg6[%dma_start3A_41, %dma_start3A_42] : memref<160x128xi32, #tpu.memory_space<vmem>> -> memref<1x128xi32, #tpu.memory_space<vmem>>
    %dma_start3A_44 = tpu.memref_squeeze %dma_start3A_43 : memref<1x128xi32, #tpu.memory_space<vmem>> -> memref<128xi32, #tpu.memory_space<vmem>>
    %dma_start3A_45 = arith.constant 0 : i32
    %dma_start3A_46 = arith.constant 0 : i32
    %dma_start3A_47 = tpu.memref_slice %arg2[%arg0, %dma_start3A_45, %dma_start3A_46] : memref<2x10240x64xf32, #tpu.memory_space<hbm>> -> memref<1x10240x64xf32, #tpu.memory_space<hbm>>
    %dma_start3A_48 = tpu.memref_squeeze %dma_start3A_47 : memref<1x10240x64xf32, #tpu.memory_space<hbm>> -> memref<10240x64xf32, #tpu.memory_space<hbm>>
    %dma_start3A_49 = arith.constant 0 : i32
    %dma_start3A_50 = arith.constant 0 : i32
    %dma_start3A_51 = tpu.memref_slice %dma_start3A_48[%dma_start3A_49, %dma_start3A_50] : memref<10240x64xf32, #tpu.memory_space<hbm>> -> memref<10240x64xf32, #tpu.memory_space<hbm>>
    tpu.enqueue_indirect_dma source(%dma_start3A_51 : memref<10240x64xf32, #tpu.memory_space<hbm>>) target(%arg11 : memref<128x64xf32, #tpu.memory_space<vmem>>) offsets(%dma_start3A_44 : memref<128xi32, #tpu.memory_space<vmem>>) semaphore(%arg16 : memref<!tpu.dma_semaphore, #tpu.memory_space<semaphore_mem>>)
    %scan3A = arith.constant 0 : i32
    %scan3A_52 = arith.constant 40 : i32
    %scan3A_53 = arith.addi %scan3A, %scan3A_52 : i32
    %scan3A_54 = arith.constant 1 : i32
    scf.for %scan3A_84 = %scan3A to %scan3A_53 step %scan3A_54  : i32 {
      %mul3A_85 = arith.constant 4 : i32
      %mul3A_86 = arith.muli %scan3A_84, %mul3A_85 : i32
      %add3A = arith.constant 0 : i32
      %add3A_87 = arith.addi %add3A, %mul3A_86 : i32
      %add3A_88 = arith.constant 0 : i32
      %add3A_89 = arith.addi %add3A_87, %add3A_88 : i32
      %dma_wait3A_90 = arith.constant 0 : i32
      %dma_wait3A_91 = tpu.memref_slice %arg6[%add3A_89, %dma_wait3A_90] : memref<160x128xi32, #tpu.memory_space<vmem>> -> memref<1x128xi32, #tpu.memory_space<vmem>>
      %dma_wait3A_92 = tpu.memref_squeeze %dma_wait3A_91 : memref<1x128xi32, #tpu.memory_space<vmem>> -> memref<128xi32, #tpu.memory_space<vmem>>
      %dma_wait3A_93 = arith.constant 0 : i32
      %dma_wait3A_94 = arith.constant 0 : i32
      %dma_wait3A_95 = tpu.memref_slice %arg2[%arg0, %dma_wait3A_93, %dma_wait3A_94] : memref<2x10240x64xf32, #tpu.memory_space<hbm>> -> memref<1x10240x64xf32, #tpu.memory_space<hbm>>
      %dma_wait3A_96 = tpu.memref_squeeze %dma_wait3A_95 : memref<1x10240x64xf32, #tpu.memory_space<hbm>> -> memref<10240x64xf32, #tpu.memory_space<hbm>>
      %dma_wait3A_97 = arith.constant 0 : i32
      %dma_wait3A_98 = arith.constant 0 : i32
      %dma_wait3A_99 = tpu.memref_slice %dma_wait3A_96[%dma_wait3A_97, %dma_wait3A_98] : memref<10240x64xf32, #tpu.memory_space<hbm>> -> memref<10240x64xf32, #tpu.memory_space<hbm>>
      tpu.wait_indirect_dma semaphore(%arg13 : memref<!tpu.dma_semaphore, #tpu.memory_space<semaphore_mem>>) src(%dma_wait3A_99 : memref<10240x64xf32, #tpu.memory_space<hbm>>) dst(%arg8 : memref<128x64xf32, #tpu.memory_space<vmem>>)
      %dma_start3A_100 = arith.constant 0 : i32
      %dma_start3A_101 = tpu.memref_slice %arg7[%add3A_89, %dma_start3A_100] : memref<160x128xi32, #tpu.memory_space<vmem>> -> memref<1x128xi32, #tpu.memory_space<vmem>>
      %dma_start3A_102 = tpu.memref_squeeze %dma_start3A_101 : memref<1x128xi32, #tpu.memory_space<vmem>> -> memref<128xi32, #tpu.memory_space<vmem>>
      %dma_start3A_103 = arith.constant 0 : i32
      %dma_start3A_104 = arith.constant 0 : i32
      %dma_start3A_105 = tpu.memref_slice %arg12[%dma_start3A_103, %dma_start3A_104] : memref<10240x64xf32, #tpu.memory_space<vmem_shared>> -> memref<10240x64xf32, #tpu.memory_space<vmem_shared>>
      tpu.enqueue_indirect_dma source(%arg8 : memref<128x64xf32, #tpu.memory_space<vmem>>) target(%dma_start3A_105 : memref<10240x64xf32, #tpu.memory_space<vmem_shared>>) offsets(%dma_start3A_102 : memref<128xi32, #tpu.memory_space<vmem>>) semaphore(%arg17 : memref<!tpu.dma_semaphore, #tpu.memory_space<semaphore_mem>>) {add = true}
      %add3A_106 = arith.constant 1 : i32
      %add3A_107 = arith.addi %add3A_87, %add3A_106 : i32
      %dma_wait3A_108 = arith.constant 0 : i32
      %dma_wait3A_109 = tpu.memref_slice %arg6[%add3A_107, %dma_wait3A_108] : memref<160x128xi32, #tpu.memory_space<vmem>> -> memref<1x128xi32, #tpu.memory_space<vmem>>
      %dma_wait3A_110 = tpu.memref_squeeze %dma_wait3A_109 : memref<1x128xi32, #tpu.memory_space<vmem>> -> memref<128xi32, #tpu.memory_space<vmem>>
      %dma_wait3A_111 = arith.constant 0 : i32
      %dma_wait3A_112 = arith.constant 0 : i32
      %dma_wait3A_113 = tpu.memref_slice %arg2[%arg0, %dma_wait3A_111, %dma_wait3A_112] : memref<2x10240x64xf32, #tpu.memory_space<hbm>> -> memref<1x10240x64xf32, #tpu.memory_space<hbm>>
      %dma_wait3A_114 = tpu.memref_squeeze %dma_wait3A_113 : memref<1x10240x64xf32, #tpu.memory_space<hbm>> -> memref<10240x64xf32, #tpu.memory_space<hbm>>
      %dma_wait3A_115 = arith.constant 0 : i32
      %dma_wait3A_116 = arith.constant 0 : i32
      %dma_wait3A_117 = tpu.memref_slice %dma_wait3A_114[%dma_wait3A_115, %dma_wait3A_116] : memref<10240x64xf32, #tpu.memory_space<hbm>> -> memref<10240x64xf32, #tpu.memory_space<hbm>>
      tpu.wait_indirect_dma semaphore(%arg14 : memref<!tpu.dma_semaphore, #tpu.memory_space<semaphore_mem>>) src(%dma_wait3A_117 : memref<10240x64xf32, #tpu.memory_space<hbm>>) dst(%arg9 : memref<128x64xf32, #tpu.memory_space<vmem>>)
      %dma_start3A_118 = arith.constant 0 : i32
      %dma_start3A_119 = tpu.memref_slice %arg7[%add3A_107, %dma_start3A_118] : memref<160x128xi32, #tpu.memory_space<vmem>> -> memref<1x128xi32, #tpu.memory_space<vmem>>
      %dma_start3A_120 = tpu.memref_squeeze %dma_start3A_119 : memref<1x128xi32, #tpu.memory_space<vmem>> -> memref<128xi32, #tpu.memory_space<vmem>>
      %dma_start3A_121 = arith.constant 0 : i32
      %dma_start3A_122 = arith.constant 0 : i32
      %dma_start3A_123 = tpu.memref_slice %arg12[%dma_start3A_121, %dma_start3A_122] : memref<10240x64xf32, #tpu.memory_space<vmem_shared>> -> memref<10240x64xf32, #tpu.memory_space<vmem_shared>>
      tpu.enqueue_indirect_dma source(%arg9 : memref<128x64xf32, #tpu.memory_space<vmem>>) target(%dma_start3A_123 : memref<10240x64xf32, #tpu.memory_space<vmem_shared>>) offsets(%dma_start3A_120 : memref<128xi32, #tpu.memory_space<vmem>>) semaphore(%arg18 : memref<!tpu.dma_semaphore, #tpu.memory_space<semaphore_mem>>) {add = true}
      %add3A_124 = arith.constant 2 : i32
      %add3A_125 = arith.addi %add3A_87, %add3A_124 : i32
      %dma_wait3A_126 = arith.constant 0 : i32
      %dma_wait3A_127 = tpu.memref_slice %arg6[%add3A_125, %dma_wait3A_126] : memref<160x128xi32, #tpu.memory_space<vmem>> -> memref<1x128xi32, #tpu.memory_space<vmem>>
      %dma_wait3A_128 = tpu.memref_squeeze %dma_wait3A_127 : memref<1x128xi32, #tpu.memory_space<vmem>> -> memref<128xi32, #tpu.memory_space<vmem>>
      %dma_wait3A_129 = arith.constant 0 : i32
      %dma_wait3A_130 = arith.constant 0 : i32
      %dma_wait3A_131 = tpu.memref_slice %arg2[%arg0, %dma_wait3A_129, %dma_wait3A_130] : memref<2x10240x64xf32, #tpu.memory_space<hbm>> -> memref<1x10240x64xf32, #tpu.memory_space<hbm>>
      %dma_wait3A_132 = tpu.memref_squeeze %dma_wait3A_131 : memref<1x10240x64xf32, #tpu.memory_space<hbm>> -> memref<10240x64xf32, #tpu.memory_space<hbm>>
      %dma_wait3A_133 = arith.constant 0 : i32
      %dma_wait3A_134 = arith.constant 0 : i32
      %dma_wait3A_135 = tpu.memref_slice %dma_wait3A_132[%dma_wait3A_133, %dma_wait3A_134] : memref<10240x64xf32, #tpu.memory_space<hbm>> -> memref<10240x64xf32, #tpu.memory_space<hbm>>
      tpu.wait_indirect_dma semaphore(%arg15 : memref<!tpu.dma_semaphore, #tpu.memory_space<semaphore_mem>>) src(%dma_wait3A_135 : memref<10240x64xf32, #tpu.memory_space<hbm>>) dst(%arg10 : memref<128x64xf32, #tpu.memory_space<vmem>>)
      %dma_start3A_136 = arith.constant 0 : i32
      %dma_start3A_137 = tpu.memref_slice %arg7[%add3A_125, %dma_start3A_136] : memref<160x128xi32, #tpu.memory_space<vmem>> -> memref<1x128xi32, #tpu.memory_space<vmem>>
      %dma_start3A_138 = tpu.memref_squeeze %dma_start3A_137 : memref<1x128xi32, #tpu.memory_space<vmem>> -> memref<128xi32, #tpu.memory_space<vmem>>
      %dma_start3A_139 = arith.constant 0 : i32
      %dma_start3A_140 = arith.constant 0 : i32
      %dma_start3A_141 = tpu.memref_slice %arg12[%dma_start3A_139, %dma_start3A_140] : memref<10240x64xf32, #tpu.memory_space<vmem_shared>> -> memref<10240x64xf32, #tpu.memory_space<vmem_shared>>
      tpu.enqueue_indirect_dma source(%arg10 : memref<128x64xf32, #tpu.memory_space<vmem>>) target(%dma_start3A_141 : memref<10240x64xf32, #tpu.memory_space<vmem_shared>>) offsets(%dma_start3A_138 : memref<128xi32, #tpu.memory_space<vmem>>) semaphore(%arg19 : memref<!tpu.dma_semaphore, #tpu.memory_space<semaphore_mem>>) {add = true}
      %add3A_142 = arith.constant 3 : i32
      %add3A_143 = arith.addi %add3A_87, %add3A_142 : i32
      %dma_wait3A_144 = arith.constant 0 : i32
      %dma_wait3A_145 = tpu.memref_slice %arg6[%add3A_143, %dma_wait3A_144] : memref<160x128xi32, #tpu.memory_space<vmem>> -> memref<1x128xi32, #tpu.memory_space<vmem>>
      %dma_wait3A_146 = tpu.memref_squeeze %dma_wait3A_145 : memref<1x128xi32, #tpu.memory_space<vmem>> -> memref<128xi32, #tpu.memory_space<vmem>>
      %dma_wait3A_147 = arith.constant 0 : i32
      %dma_wait3A_148 = arith.constant 0 : i32
      %dma_wait3A_149 = tpu.memref_slice %arg2[%arg0, %dma_wait3A_147, %dma_wait3A_148] : memref<2x10240x64xf32, #tpu.memory_space<hbm>> -> memref<1x10240x64xf32, #tpu.memory_space<hbm>>
      %dma_wait3A_150 = tpu.memref_squeeze %dma_wait3A_149 : memref<1x10240x64xf32, #tpu.memory_space<hbm>> -> memref<10240x64xf32, #tpu.memory_space<hbm>>
      %dma_wait3A_151 = arith.constant 0 : i32
      %dma_wait3A_152 = arith.constant 0 : i32
      %dma_wait3A_153 = tpu.memref_slice %dma_wait3A_150[%dma_wait3A_151, %dma_wait3A_152] : memref<10240x64xf32, #tpu.memory_space<hbm>> -> memref<10240x64xf32, #tpu.memory_space<hbm>>
      tpu.wait_indirect_dma semaphore(%arg16 : memref<!tpu.dma_semaphore, #tpu.memory_space<semaphore_mem>>) src(%dma_wait3A_153 : memref<10240x64xf32, #tpu.memory_space<hbm>>) dst(%arg11 : memref<128x64xf32, #tpu.memory_space<vmem>>)
      %dma_start3A_154 = arith.constant 0 : i32
      %dma_start3A_155 = tpu.memref_slice %arg7[%add3A_143, %dma_start3A_154] : memref<160x128xi32, #tpu.memory_space<vmem>> -> memref<1x128xi32, #tpu.memory_space<vmem>>
      %dma_start3A_156 = tpu.memref_squeeze %dma_start3A_155 : memref<1x128xi32, #tpu.memory_space<vmem>> -> memref<128xi32, #tpu.memory_space<vmem>>
      %dma_start3A_157 = arith.constant 0 : i32
      %dma_start3A_158 = arith.constant 0 : i32
      %dma_start3A_159 = tpu.memref_slice %arg12[%dma_start3A_157, %dma_start3A_158] : memref<10240x64xf32, #tpu.memory_space<vmem_shared>> -> memref<10240x64xf32, #tpu.memory_space<vmem_shared>>
      tpu.enqueue_indirect_dma source(%arg11 : memref<128x64xf32, #tpu.memory_space<vmem>>) target(%dma_start3A_159 : memref<10240x64xf32, #tpu.memory_space<vmem_shared>>) offsets(%dma_start3A_156 : memref<128xi32, #tpu.memory_space<vmem>>) semaphore(%arg20 : memref<!tpu.dma_semaphore, #tpu.memory_space<semaphore_mem>>) {add = true}
      %add3A_160 = arith.constant 0 : i32
      %add3A_161 = arith.addi %add3A_87, %add3A_160 : i32
      %add3A_162 = arith.constant 4 : i32
      %add3A_163 = arith.addi %add3A_161, %add3A_162 : i32
      %lt3A = arith.constant 160 : i32
      %lt3A_164 = arith.cmpi slt, %add3A_163, %lt3A : i32
      %convert_element_type3A = arith.extui %lt3A_164 : i1 to i32
      %cond3A = arith.constant 0 : i32
      %cond3A_165 = arith.cmpi ne, %convert_element_type3A, %cond3A : i32
      scf.if %cond3A_165 {
        %dma_wait3A_193 = arith.constant 0 : i32
        %dma_wait3A_194 = arith.constant 0 : i32
        %dma_wait3A_195 = tpu.memref_slice %arg7[%dma_wait3A_193, %dma_wait3A_194] : memref<160x128xi32, #tpu.memory_space<vmem>> -> memref<1x128xi32, #tpu.memory_space<vmem>>
        %dma_wait3A_196 = tpu.memref_squeeze %dma_wait3A_195 : memref<1x128xi32, #tpu.memory_space<vmem>> -> memref<128xi32, #tpu.memory_space<vmem>>
        %dma_wait3A_197 = arith.constant 0 : i32
        %dma_wait3A_198 = arith.constant 0 : i32
        %dma_wait3A_199 = tpu.memref_slice %arg12[%dma_wait3A_197, %dma_wait3A_198] : memref<10240x64xf32, #tpu.memory_space<vmem_shared>> -> memref<10240x64xf32, #tpu.memory_space<vmem_shared>>
        tpu.wait_indirect_dma semaphore(%arg17 : memref<!tpu.dma_semaphore, #tpu.memory_space<semaphore_mem>>) src(%arg8 : memref<128x64xf32, #tpu.memory_space<vmem>>) dst(%dma_wait3A_199 : memref<10240x64xf32, #tpu.memory_space<vmem_shared>>)
        %dma_start3A_200 = arith.constant 0 : i32
        %dma_start3A_201 = tpu.memref_slice %arg6[%add3A_163, %dma_start3A_200] : memref<160x128xi32, #tpu.memory_space<vmem>> -> memref<1x128xi32, #tpu.memory_space<vmem>>
        %dma_start3A_202 = tpu.memref_squeeze %dma_start3A_201 : memref<1x128xi32, #tpu.memory_space<vmem>> -> memref<128xi32, #tpu.memory_space<vmem>>
        %dma_start3A_203 = arith.constant 0 : i32
        %dma_start3A_204 = arith.constant 0 : i32
        %dma_start3A_205 = tpu.memref_slice %arg2[%arg0, %dma_start3A_203, %dma_start3A_204] : memref<2x10240x64xf32, #tpu.memory_space<hbm>> -> memref<1x10240x64xf32, #tpu.memory_space<hbm>>
        %dma_start3A_206 = tpu.memref_squeeze %dma_start3A_205 : memref<1x10240x64xf32, #tpu.memory_space<hbm>> -> memref<10240x64xf32, #tpu.memory_space<hbm>>
        %dma_start3A_207 = arith.constant 0 : i32
        %dma_start3A_208 = arith.constant 0 : i32
        %dma_start3A_209 = tpu.memref_slice %dma_start3A_206[%dma_start3A_207, %dma_start3A_208] : memref<10240x64xf32, #tpu.memory_space<hbm>> -> memref<10240x64xf32, #tpu.memory_space<hbm>>
        tpu.enqueue_indirect_dma source(%dma_start3A_209 : memref<10240x64xf32, #tpu.memory_space<hbm>>) target(%arg8 : memref<128x64xf32, #tpu.memory_space<vmem>>) offsets(%dma_start3A_202 : memref<128xi32, #tpu.memory_space<vmem>>) semaphore(%arg13 : memref<!tpu.dma_semaphore, #tpu.memory_space<semaphore_mem>>)
      } else {
      }
      %add3A_166 = arith.constant 1 : i32
      %add3A_167 = arith.addi %add3A_87, %add3A_166 : i32
      %add3A_168 = arith.constant 4 : i32
      %add3A_169 = arith.addi %add3A_167, %add3A_168 : i32
      %lt3A_170 = arith.constant 160 : i32
      %lt3A_171 = arith.cmpi slt, %add3A_169, %lt3A_170 : i32
      %convert_element_type3A_172 = arith.extui %lt3A_171 : i1 to i32
      %cond3A_173 = arith.constant 0 : i32
      %cond3A_174 = arith.cmpi ne, %convert_element_type3A_172, %cond3A_173 : i32
      scf.if %cond3A_174 {
        %dma_wait3A_193 = arith.constant 0 : i32
        %dma_wait3A_194 = arith.constant 0 : i32
        %dma_wait3A_195 = tpu.memref_slice %arg7[%dma_wait3A_193, %dma_wait3A_194] : memref<160x128xi32, #tpu.memory_space<vmem>> -> memref<1x128xi32, #tpu.memory_space<vmem>>
        %dma_wait3A_196 = tpu.memref_squeeze %dma_wait3A_195 : memref<1x128xi32, #tpu.memory_space<vmem>> -> memref<128xi32, #tpu.memory_space<vmem>>
        %dma_wait3A_197 = arith.constant 0 : i32
        %dma_wait3A_198 = arith.constant 0 : i32
        %dma_wait3A_199 = tpu.memref_slice %arg12[%dma_wait3A_197, %dma_wait3A_198] : memref<10240x64xf32, #tpu.memory_space<vmem_shared>> -> memref<10240x64xf32, #tpu.memory_space<vmem_shared>>
        tpu.wait_indirect_dma semaphore(%arg18 : memref<!tpu.dma_semaphore, #tpu.memory_space<semaphore_mem>>) src(%arg9 : memref<128x64xf32, #tpu.memory_space<vmem>>) dst(%dma_wait3A_199 : memref<10240x64xf32, #tpu.memory_space<vmem_shared>>)
        %dma_start3A_200 = arith.constant 0 : i32
        %dma_start3A_201 = tpu.memref_slice %arg6[%add3A_169, %dma_start3A_200] : memref<160x128xi32, #tpu.memory_space<vmem>> -> memref<1x128xi32, #tpu.memory_space<vmem>>
        %dma_start3A_202 = tpu.memref_squeeze %dma_start3A_201 : memref<1x128xi32, #tpu.memory_space<vmem>> -> memref<128xi32, #tpu.memory_space<vmem>>
        %dma_start3A_203 = arith.constant 0 : i32
        %dma_start3A_204 = arith.constant 0 : i32
        %dma_start3A_205 = tpu.memref_slice %arg2[%arg0, %dma_start3A_203, %dma_start3A_204] : memref<2x10240x64xf32, #tpu.memory_space<hbm>> -> memref<1x10240x64xf32, #tpu.memory_space<hbm>>
        %dma_start3A_206 = tpu.memref_squeeze %dma_start3A_205 : memref<1x10240x64xf32, #tpu.memory_space<hbm>> -> memref<10240x64xf32, #tpu.memory_space<hbm>>
        %dma_start3A_207 = arith.constant 0 : i32
        %dma_start3A_208 = arith.constant 0 : i32
        %dma_start3A_209 = tpu.memref_slice %dma_start3A_206[%dma_start3A_207, %dma_start3A_208] : memref<10240x64xf32, #tpu.memory_space<hbm>> -> memref<10240x64xf32, #tpu.memory_space<hbm>>
        tpu.enqueue_indirect_dma source(%dma_start3A_209 : memref<10240x64xf32, #tpu.memory_space<hbm>>) target(%arg9 : memref<128x64xf32, #tpu.memory_space<vmem>>) offsets(%dma_start3A_202 : memref<128xi32, #tpu.memory_space<vmem>>) semaphore(%arg14 : memref<!tpu.dma_semaphore, #tpu.memory_space<semaphore_mem>>)
      } else {
      }
      %add3A_175 = arith.constant 2 : i32
      %add3A_176 = arith.addi %add3A_87, %add3A_175 : i32
      %add3A_177 = arith.constant 4 : i32
      %add3A_178 = arith.addi %add3A_176, %add3A_177 : i32
      %lt3A_179 = arith.constant 160 : i32
      %lt3A_180 = arith.cmpi slt, %add3A_178, %lt3A_179 : i32
      %convert_element_type3A_181 = arith.extui %lt3A_180 : i1 to i32
      %cond3A_182 = arith.constant 0 : i32
      %cond3A_183 = arith.cmpi ne, %convert_element_type3A_181, %cond3A_182 : i32
      scf.if %cond3A_183 {
        %dma_wait3A_193 = arith.constant 0 : i32
        %dma_wait3A_194 = arith.constant 0 : i32
        %dma_wait3A_195 = tpu.memref_slice %arg7[%dma_wait3A_193, %dma_wait3A_194] : memref<160x128xi32, #tpu.memory_space<vmem>> -> memref<1x128xi32, #tpu.memory_space<vmem>>
        %dma_wait3A_196 = tpu.memref_squeeze %dma_wait3A_195 : memref<1x128xi32, #tpu.memory_space<vmem>> -> memref<128xi32, #tpu.memory_space<vmem>>
        %dma_wait3A_197 = arith.constant 0 : i32
        %dma_wait3A_198 = arith.constant 0 : i32
        %dma_wait3A_199 = tpu.memref_slice %arg12[%dma_wait3A_197, %dma_wait3A_198] : memref<10240x64xf32, #tpu.memory_space<vmem_shared>> -> memref<10240x64xf32, #tpu.memory_space<vmem_shared>>
        tpu.wait_indirect_dma semaphore(%arg19 : memref<!tpu.dma_semaphore, #tpu.memory_space<semaphore_mem>>) src(%arg10 : memref<128x64xf32, #tpu.memory_space<vmem>>) dst(%dma_wait3A_199 : memref<10240x64xf32, #tpu.memory_space<vmem_shared>>)
        %dma_start3A_200 = arith.constant 0 : i32
        %dma_start3A_201 = tpu.memref_slice %arg6[%add3A_178, %dma_start3A_200] : memref<160x128xi32, #tpu.memory_space<vmem>> -> memref<1x128xi32, #tpu.memory_space<vmem>>
        %dma_start3A_202 = tpu.memref_squeeze %dma_start3A_201 : memref<1x128xi32, #tpu.memory_space<vmem>> -> memref<128xi32, #tpu.memory_space<vmem>>
        %dma_start3A_203 = arith.constant 0 : i32
        %dma_start3A_204 = arith.constant 0 : i32
        %dma_start3A_205 = tpu.memref_slice %arg2[%arg0, %dma_start3A_203, %dma_start3A_204] : memref<2x10240x64xf32, #tpu.memory_space<hbm>> -> memref<1x10240x64xf32, #tpu.memory_space<hbm>>
        %dma_start3A_206 = tpu.memref_squeeze %dma_start3A_205 : memref<1x10240x64xf32, #tpu.memory_space<hbm>> -> memref<10240x64xf32, #tpu.memory_space<hbm>>
        %dma_start3A_207 = arith.constant 0 : i32
        %dma_start3A_208 = arith.constant 0 : i32
        %dma_start3A_209 = tpu.memref_slice %dma_start3A_206[%dma_start3A_207, %dma_start3A_208] : memref<10240x64xf32, #tpu.memory_space<hbm>> -> memref<10240x64xf32, #tpu.memory_space<hbm>>
        tpu.enqueue_indirect_dma source(%dma_start3A_209 : memref<10240x64xf32, #tpu.memory_space<hbm>>) target(%arg10 : memref<128x64xf32, #tpu.memory_space<vmem>>) offsets(%dma_start3A_202 : memref<128xi32, #tpu.memory_space<vmem>>) semaphore(%arg15 : memref<!tpu.dma_semaphore, #tpu.memory_space<semaphore_mem>>)
      } else {
      }
      %add3A_184 = arith.constant 3 : i32
      %add3A_185 = arith.addi %add3A_87, %add3A_184 : i32
      %add3A_186 = arith.constant 4 : i32
      %add3A_187 = arith.addi %add3A_185, %add3A_186 : i32
      %lt3A_188 = arith.constant 160 : i32
      %lt3A_189 = arith.cmpi slt, %add3A_187, %lt3A_188 : i32
      %convert_element_type3A_190 = arith.extui %lt3A_189 : i1 to i32
      %cond3A_191 = arith.constant 0 : i32
      %cond3A_192 = arith.cmpi ne, %convert_element_type3A_190, %cond3A_191 : i32
      scf.if %cond3A_192 {
        %dma_wait3A_193 = arith.constant 0 : i32
        %dma_wait3A_194 = arith.constant 0 : i32
        %dma_wait3A_195 = tpu.memref_slice %arg7[%dma_wait3A_193, %dma_wait3A_194] : memref<160x128xi32, #tpu.memory_space<vmem>> -> memref<1x128xi32, #tpu.memory_space<vmem>>
        %dma_wait3A_196 = tpu.memref_squeeze %dma_wait3A_195 : memref<1x128xi32, #tpu.memory_space<vmem>> -> memref<128xi32, #tpu.memory_space<vmem>>
        %dma_wait3A_197 = arith.constant 0 : i32
        %dma_wait3A_198 = arith.constant 0 : i32
        %dma_wait3A_199 = tpu.memref_slice %arg12[%dma_wait3A_197, %dma_wait3A_198] : memref<10240x64xf32, #tpu.memory_space<vmem_shared>> -> memref<10240x64xf32, #tpu.memory_space<vmem_shared>>
        tpu.wait_indirect_dma semaphore(%arg20 : memref<!tpu.dma_semaphore, #tpu.memory_space<semaphore_mem>>) src(%arg11 : memref<128x64xf32, #tpu.memory_space<vmem>>) dst(%dma_wait3A_199 : memref<10240x64xf32, #tpu.memory_space<vmem_shared>>)
        %dma_start3A_200 = arith.constant 0 : i32
        %dma_start3A_201 = tpu.memref_slice %arg6[%add3A_187, %dma_start3A_200] : memref<160x128xi32, #tpu.memory_space<vmem>> -> memref<1x128xi32, #tpu.memory_space<vmem>>
        %dma_start3A_202 = tpu.memref_squeeze %dma_start3A_201 : memref<1x128xi32, #tpu.memory_space<vmem>> -> memref<128xi32, #tpu.memory_space<vmem>>
        %dma_start3A_203 = arith.constant 0 : i32
        %dma_start3A_204 = arith.constant 0 : i32
        %dma_start3A_205 = tpu.memref_slice %arg2[%arg0, %dma_start3A_203, %dma_start3A_204] : memref<2x10240x64xf32, #tpu.memory_space<hbm>> -> memref<1x10240x64xf32, #tpu.memory_space<hbm>>
        %dma_start3A_206 = tpu.memref_squeeze %dma_start3A_205 : memref<1x10240x64xf32, #tpu.memory_space<hbm>> -> memref<10240x64xf32, #tpu.memory_space<hbm>>
        %dma_start3A_207 = arith.constant 0 : i32
        %dma_start3A_208 = arith.constant 0 : i32
        %dma_start3A_209 = tpu.memref_slice %dma_start3A_206[%dma_start3A_207, %dma_start3A_208] : memref<10240x64xf32, #tpu.memory_space<hbm>> -> memref<10240x64xf32, #tpu.memory_space<hbm>>
        tpu.enqueue_indirect_dma source(%dma_start3A_209 : memref<10240x64xf32, #tpu.memory_space<hbm>>) target(%arg11 : memref<128x64xf32, #tpu.memory_space<vmem>>) offsets(%dma_start3A_202 : memref<128xi32, #tpu.memory_space<vmem>>) semaphore(%arg16 : memref<!tpu.dma_semaphore, #tpu.memory_space<semaphore_mem>>)
      } else {
      }
    }
    %scan3A_55 = arith.constant 40 : i32
    %dma_wait3A = arith.constant 0 : i32
    %dma_wait3A_56 = arith.constant 0 : i32
    %dma_wait3A_57 = tpu.memref_slice %arg7[%dma_wait3A, %dma_wait3A_56] : memref<160x128xi32, #tpu.memory_space<vmem>> -> memref<1x128xi32, #tpu.memory_space<vmem>>
    %dma_wait3A_58 = tpu.memref_squeeze %dma_wait3A_57 : memref<1x128xi32, #tpu.memory_space<vmem>> -> memref<128xi32, #tpu.memory_space<vmem>>
    %dma_wait3A_59 = arith.constant 0 : i32
    %dma_wait3A_60 = arith.constant 0 : i32
    %dma_wait3A_61 = tpu.memref_slice %arg12[%dma_wait3A_59, %dma_wait3A_60] : memref<10240x64xf32, #tpu.memory_space<vmem_shared>> -> memref<10240x64xf32, #tpu.memory_space<vmem_shared>>
    tpu.wait_indirect_dma semaphore(%arg17 : memref<!tpu.dma_semaphore, #tpu.memory_space<semaphore_mem>>) src(%arg8 : memref<128x64xf32, #tpu.memory_space<vmem>>) dst(%dma_wait3A_61 : memref<10240x64xf32, #tpu.memory_space<vmem_shared>>)
    %dma_wait3A_62 = arith.constant 0 : i32
    %dma_wait3A_63 = arith.constant 0 : i32
    %dma_wait3A_64 = tpu.memref_slice %arg7[%dma_wait3A_62, %dma_wait3A_63] : memref<160x128xi32, #tpu.memory_space<vmem>> -> memref<1x128xi32, #tpu.memory_space<vmem>>
    %dma_wait3A_65 = tpu.memref_squeeze %dma_wait3A_64 : memref<1x128xi32, #tpu.memory_space<vmem>> -> memref<128xi32, #tpu.memory_space<vmem>>
    %dma_wait3A_66 = arith.constant 0 : i32
    %dma_wait3A_67 = arith.constant 0 : i32
    %dma_wait3A_68 = tpu.memref_slice %arg12[%dma_wait3A_66, %dma_wait3A_67] : memref<10240x64xf32, #tpu.memory_space<vmem_shared>> -> memref<10240x64xf32, #tpu.memory_space<vmem_shared>>
    tpu.wait_indirect_dma semaphore(%arg18 : memref<!tpu.dma_semaphore, #tpu.memory_space<semaphore_mem>>) src(%arg9 : memref<128x64xf32, #tpu.memory_space<vmem>>) dst(%dma_wait3A_68 : memref<10240x64xf32, #tpu.memory_space<vmem_shared>>)
    %dma_wait3A_69 = arith.constant 0 : i32
    %dma_wait3A_70 = arith.constant 0 : i32
    %dma_wait3A_71 = tpu.memref_slice %arg7[%dma_wait3A_69, %dma_wait3A_70] : memref<160x128xi32, #tpu.memory_space<vmem>> -> memref<1x128xi32, #tpu.memory_space<vmem>>
    %dma_wait3A_72 = tpu.memref_squeeze %dma_wait3A_71 : memref<1x128xi32, #tpu.memory_space<vmem>> -> memref<128xi32, #tpu.memory_space<vmem>>
    %dma_wait3A_73 = arith.constant 0 : i32
    %dma_wait3A_74 = arith.constant 0 : i32
    %dma_wait3A_75 = tpu.memref_slice %arg12[%dma_wait3A_73, %dma_wait3A_74] : memref<10240x64xf32, #tpu.memory_space<vmem_shared>> -> memref<10240x64xf32, #tpu.memory_space<vmem_shared>>
    tpu.wait_indirect_dma semaphore(%arg19 : memref<!tpu.dma_semaphore, #tpu.memory_space<semaphore_mem>>) src(%arg10 : memref<128x64xf32, #tpu.memory_space<vmem>>) dst(%dma_wait3A_75 : memref<10240x64xf32, #tpu.memory_space<vmem_shared>>)
    %dma_wait3A_76 = arith.constant 0 : i32
    %dma_wait3A_77 = arith.constant 0 : i32
    %dma_wait3A_78 = tpu.memref_slice %arg7[%dma_wait3A_76, %dma_wait3A_77] : memref<160x128xi32, #tpu.memory_space<vmem>> -> memref<1x128xi32, #tpu.memory_space<vmem>>
    %dma_wait3A_79 = tpu.memref_squeeze %dma_wait3A_78 : memref<1x128xi32, #tpu.memory_space<vmem>> -> memref<128xi32, #tpu.memory_space<vmem>>
    %dma_wait3A_80 = arith.constant 0 : i32
    %dma_wait3A_81 = arith.constant 0 : i32
    %dma_wait3A_82 = tpu.memref_slice %arg12[%dma_wait3A_80, %dma_wait3A_81] : memref<10240x64xf32, #tpu.memory_space<vmem_shared>> -> memref<10240x64xf32, #tpu.memory_space<vmem_shared>>
    tpu.wait_indirect_dma semaphore(%arg20 : memref<!tpu.dma_semaphore, #tpu.memory_space<semaphore_mem>>) src(%arg11 : memref<128x64xf32, #tpu.memory_space<vmem>>) dst(%dma_wait3A_82 : memref<10240x64xf32, #tpu.memory_space<vmem_shared>>)
    %barrier3A_83 = arith.constant 0 : index
    tpu.barrier barrier_id(%barrier3A_83)
    "tpu.region"() ({
      %run_scoped3A = tpu.sem_alloc : memref<!tpu.dma_semaphore, #tpu.memory_space<semaphore_mem>>
      %dma_start3A_84 = arith.constant 0 : i32
      %dma_start3A_85 = arith.constant 0 : i32
      %dma_start3A_86 = tpu.memref_slice %arg5[%arg0, %dma_start3A_84, %dma_start3A_85] : memref<2x10240x64xf32, #tpu.memory_space<hbm>> -> memref<1x10240x64xf32, #tpu.memory_space<hbm>>
      %dma_start3A_87 = tpu.memref_squeeze %dma_start3A_86 : memref<1x10240x64xf32, #tpu.memory_space<hbm>> -> memref<10240x64xf32, #tpu.memory_space<hbm>>
      %dma_start3A_88 = arith.constant 0 : i32
      %dma_start3A_89 = tpu.memref_slice %dma_start3A_87[%mul3A_0, %dma_start3A_88] : memref<10240x64xf32, #tpu.memory_space<hbm>> -> memref<640x64xf32, #tpu.memory_space<hbm>>
      %dma_start3A_90 = arith.constant 0 : i32
      %dma_start3A_91 = tpu.memref_slice %arg12[%mul3A_0, %dma_start3A_90] : memref<10240x64xf32, #tpu.memory_space<vmem_shared>> -> memref<640x64xf32, #tpu.memory_space<vmem_shared>>
      tpu.enqueue_dma source(%dma_start3A_91 : memref<640x64xf32, #tpu.memory_space<vmem_shared>>) target(%dma_start3A_89 : memref<640x64xf32, #tpu.memory_space<hbm>>) target_semaphore(%run_scoped3A : memref<!tpu.dma_semaphore, #tpu.memory_space<semaphore_mem>>)
      %dma_wait3A_92 = arith.constant 0 : i32
      %dma_wait3A_93 = arith.constant 0 : i32
      %dma_wait3A_94 = tpu.memref_slice %arg5[%arg0, %dma_wait3A_92, %dma_wait3A_93] : memref<2x10240x64xf32, #tpu.memory_space<hbm>> -> memref<1x10240x64xf32, #tpu.memory_space<hbm>>
      %dma_wait3A_95 = tpu.memref_squeeze %dma_wait3A_94 : memref<1x10240x64xf32, #tpu.memory_space<hbm>> -> memref<10240x64xf32, #tpu.memory_space<hbm>>
      %dma_wait3A_96 = arith.constant 0 : i32
      %dma_wait3A_97 = tpu.memref_slice %dma_wait3A_95[%mul3A_0, %dma_wait3A_96] : memref<10240x64xf32, #tpu.memory_space<hbm>> -> memref<640x64xf32, #tpu.memory_space<hbm>>
      %dma_wait3A_98 = arith.constant 0 : i32
      %dma_wait3A_99 = tpu.memref_slice %arg12[%mul3A_0, %dma_wait3A_98] : memref<10240x64xf32, #tpu.memory_space<vmem_shared>> -> memref<640x64xf32, #tpu.memory_space<vmem_shared>>
      tpu.wait_dma2 semaphore(%run_scoped3A : memref<!tpu.dma_semaphore, #tpu.memory_space<semaphore_mem>>) src(%dma_wait3A_99 : memref<640x64xf32, #tpu.memory_space<vmem_shared>>) dst(%dma_wait3A_97 : memref<640x64xf32, #tpu.memory_space<hbm>>)
      tpu.yield
    }) : () -> ()
    return
  }
}

#map = affine_map<(d0, d1) -> (0, 0)>
#map1 = affine_map<(d0, d1) -> (0, 0, 0)>
module attributes {stable_mosaic.version = 14 : i64} {
  func.func @_sc_degree(%arg0: i32, %arg1: i32, %arg2: memref<2500x128xi32, #tpu.memory_space<hbm>>, %arg3: memref<128x16xf32, #tpu.memory_space<hbm>>, %arg4: memref<640x16xf32, #tpu.memory_space<hbm>>, %arg5: memref<2x10240x16xf32, #tpu.memory_space<hbm>>, %arg6: memref<79x128xi32, #tpu.memory_space<vmem>>, %arg7: memref<128x16xf32, #tpu.memory_space<vmem>>, %arg8: memref<10240x16xf32, #tpu.memory_space<vmem_shared>>) attributes {dimension_semantics = [#tpu.dimension_semantics<core_parallel>, #tpu.dimension_semantics<subcore_parallel>], iteration_bounds = array<i64: 2, 16>, scalar_prefetch = 0 : i64, scratch_operands = 3 : i64, tpu.core_type = #tpu.core_type<sc_vector_subcore>, window_params = [{transform_indices = #map}, {transform_indices = #map}, {transform_indices = #map}, {transform_indices = #map1}]} {
    %mul3A = arith.constant 16 : i32
    %mul3A_0 = arith.muli %arg0, %mul3A : i32
    %add3A = arith.addi %mul3A_0, %arg1 : i32
    %mul3A_1 = arith.constant 640 : i32
    %mul3A_2 = arith.muli %arg1, %mul3A_1 : i32
    %mul3A_3 = arith.constant 78 : i32
    %mul3A_4 = arith.muli %add3A, %mul3A_3 : i32
    "tpu.region"() ({
      %run_scoped3A = tpu.sem_alloc : memref<!tpu.dma_semaphore, #tpu.memory_space<semaphore_mem>>
      %dma_start3A = arith.constant 0 : i32
      %dma_start3A_17 = arith.constant 0 : i32
      %dma_start3A_18 = tpu.memref_slice %arg6[%dma_start3A, %dma_start3A_17] : memref<79x128xi32, #tpu.memory_space<vmem>> -> memref<78x128xi32, #tpu.memory_space<vmem>>
      %dma_start3A_19 = arith.constant 0 : i32
      %dma_start3A_20 = tpu.memref_slice %arg2[%mul3A_4, %dma_start3A_19] : memref<2500x128xi32, #tpu.memory_space<hbm>> -> memref<78x128xi32, #tpu.memory_space<hbm>>
      %dma_start3A_21 = arith.constant 0 : i32
      %dma_start3A_22 = arith.constant 0 : i32
      %dma_start3A_23 = tpu.memref_slice %arg6[%dma_start3A_21, %dma_start3A_22] : memref<79x128xi32, #tpu.memory_space<vmem>> -> memref<78x128xi32, #tpu.memory_space<vmem>>
      %dma_start3A_24 = arith.constant 0 : i32
      %dma_start3A_25 = tpu.memref_slice %arg2[%mul3A_4, %dma_start3A_24] : memref<2500x128xi32, #tpu.memory_space<hbm>> -> memref<78x128xi32, #tpu.memory_space<hbm>>
      tpu.enqueue_dma source(%dma_start3A_25 : memref<78x128xi32, #tpu.memory_space<hbm>>) target(%dma_start3A_23 : memref<78x128xi32, #tpu.memory_space<vmem>>) target_semaphore(%run_scoped3A : memref<!tpu.dma_semaphore, #tpu.memory_space<semaphore_mem>>)
      %dma_wait3A = arith.constant 0 : i32
      %dma_wait3A_26 = arith.constant 0 : i32
      %dma_wait3A_27 = tpu.memref_slice %arg6[%dma_wait3A, %dma_wait3A_26] : memref<79x128xi32, #tpu.memory_space<vmem>> -> memref<78x128xi32, #tpu.memory_space<vmem>>
      %dma_wait3A_28 = arith.constant 0 : i32
      %dma_wait3A_29 = tpu.memref_slice %arg2[%mul3A_4, %dma_wait3A_28] : memref<2500x128xi32, #tpu.memory_space<hbm>> -> memref<78x128xi32, #tpu.memory_space<hbm>>
      %dma_wait3A_30 = arith.constant 0 : i32
      %dma_wait3A_31 = arith.constant 0 : i32
      %dma_wait3A_32 = tpu.memref_slice %arg6[%dma_wait3A_30, %dma_wait3A_31] : memref<79x128xi32, #tpu.memory_space<vmem>> -> memref<78x128xi32, #tpu.memory_space<vmem>>
      %dma_wait3A_33 = arith.constant 0 : i32
      %dma_wait3A_34 = tpu.memref_slice %arg2[%mul3A_4, %dma_wait3A_33] : memref<2500x128xi32, #tpu.memory_space<hbm>> -> memref<78x128xi32, #tpu.memory_space<hbm>>
      tpu.wait_dma2 semaphore(%run_scoped3A : memref<!tpu.dma_semaphore, #tpu.memory_space<semaphore_mem>>) src(%dma_wait3A_34 : memref<78x128xi32, #tpu.memory_space<hbm>>) dst(%dma_wait3A_32 : memref<78x128xi32, #tpu.memory_space<vmem>>)
      tpu.yield
    }) : () -> ()
    %lt3A = arith.constant 4 : i32
    %lt3A_5 = arith.cmpi slt, %add3A, %lt3A : i32
    %convert_element_type3A = arith.extui %lt3A_5 : i1 to i32
    %cond3A = arith.constant 0 : i32
    %cond3A_6 = arith.cmpi ne, %convert_element_type3A, %cond3A : i32
    scf.if %cond3A_6 {
      %add3A_17 = arith.constant 2496 : i32
      %add3A_18 = arith.addi %add3A_17, %add3A : i32
      "tpu.region"() ({
        %run_scoped3A = tpu.sem_alloc : memref<!tpu.dma_semaphore, #tpu.memory_space<semaphore_mem>>
        %dma_start3A = arith.constant 78 : i32
        %dma_start3A_19 = arith.constant 0 : i32
        %dma_start3A_20 = tpu.memref_slice %arg6[%dma_start3A, %dma_start3A_19] : memref<79x128xi32, #tpu.memory_space<vmem>> -> memref<1x128xi32, #tpu.memory_space<vmem>>
        %dma_start3A_21 = arith.constant 0 : i32
        %dma_start3A_22 = tpu.memref_slice %arg2[%add3A_18, %dma_start3A_21] : memref<2500x128xi32, #tpu.memory_space<hbm>> -> memref<1x128xi32, #tpu.memory_space<hbm>>
        %dma_start3A_23 = arith.constant 78 : i32
        %dma_start3A_24 = arith.constant 0 : i32
        %dma_start3A_25 = tpu.memref_slice %arg6[%dma_start3A_23, %dma_start3A_24] : memref<79x128xi32, #tpu.memory_space<vmem>> -> memref<1x128xi32, #tpu.memory_space<vmem>>
        %dma_start3A_26 = arith.constant 0 : i32
        %dma_start3A_27 = tpu.memref_slice %arg2[%add3A_18, %dma_start3A_26] : memref<2500x128xi32, #tpu.memory_space<hbm>> -> memref<1x128xi32, #tpu.memory_space<hbm>>
        tpu.enqueue_dma source(%dma_start3A_27 : memref<1x128xi32, #tpu.memory_space<hbm>>) target(%dma_start3A_25 : memref<1x128xi32, #tpu.memory_space<vmem>>) target_semaphore(%run_scoped3A : memref<!tpu.dma_semaphore, #tpu.memory_space<semaphore_mem>>)
        %dma_wait3A = arith.constant 78 : i32
        %dma_wait3A_28 = arith.constant 0 : i32
        %dma_wait3A_29 = tpu.memref_slice %arg6[%dma_wait3A, %dma_wait3A_28] : memref<79x128xi32, #tpu.memory_space<vmem>> -> memref<1x128xi32, #tpu.memory_space<vmem>>
        %dma_wait3A_30 = arith.constant 0 : i32
        %dma_wait3A_31 = tpu.memref_slice %arg2[%add3A_18, %dma_wait3A_30] : memref<2500x128xi32, #tpu.memory_space<hbm>> -> memref<1x128xi32, #tpu.memory_space<hbm>>
        %dma_wait3A_32 = arith.constant 78 : i32
        %dma_wait3A_33 = arith.constant 0 : i32
        %dma_wait3A_34 = tpu.memref_slice %arg6[%dma_wait3A_32, %dma_wait3A_33] : memref<79x128xi32, #tpu.memory_space<vmem>> -> memref<1x128xi32, #tpu.memory_space<vmem>>
        %dma_wait3A_35 = arith.constant 0 : i32
        %dma_wait3A_36 = tpu.memref_slice %arg2[%add3A_18, %dma_wait3A_35] : memref<2500x128xi32, #tpu.memory_space<hbm>> -> memref<1x128xi32, #tpu.memory_space<hbm>>
        tpu.wait_dma2 semaphore(%run_scoped3A : memref<!tpu.dma_semaphore, #tpu.memory_space<semaphore_mem>>) src(%dma_wait3A_36 : memref<1x128xi32, #tpu.memory_space<hbm>>) dst(%dma_wait3A_34 : memref<1x128xi32, #tpu.memory_space<vmem>>)
        tpu.yield
      }) : () -> ()
    } else {
    }
    "tpu.region"() ({
      %run_scoped3A = tpu.sem_alloc : memref<!tpu.dma_semaphore, #tpu.memory_space<semaphore_mem>>
      tpu.enqueue_dma source(%arg3 : memref<128x16xf32, #tpu.memory_space<hbm>>) target(%arg7 : memref<128x16xf32, #tpu.memory_space<vmem>>) target_semaphore(%run_scoped3A : memref<!tpu.dma_semaphore, #tpu.memory_space<semaphore_mem>>)
      tpu.wait_dma2 semaphore(%run_scoped3A : memref<!tpu.dma_semaphore, #tpu.memory_space<semaphore_mem>>) src(%arg3 : memref<128x16xf32, #tpu.memory_space<hbm>>) dst(%arg7 : memref<128x16xf32, #tpu.memory_space<vmem>>)
      tpu.yield
    }) : () -> ()
    "tpu.region"() ({
      %run_scoped3A = tpu.sem_alloc : memref<!tpu.dma_semaphore, #tpu.memory_space<semaphore_mem>>
      %dma_start3A = arith.constant 0 : i32
      %dma_start3A_17 = tpu.memref_slice %arg8[%mul3A_2, %dma_start3A] : memref<10240x16xf32, #tpu.memory_space<vmem_shared>> -> memref<640x16xf32, #tpu.memory_space<vmem_shared>>
      tpu.enqueue_dma source(%arg4 : memref<640x16xf32, #tpu.memory_space<hbm>>) target(%dma_start3A_17 : memref<640x16xf32, #tpu.memory_space<vmem_shared>>) target_semaphore(%run_scoped3A : memref<!tpu.dma_semaphore, #tpu.memory_space<semaphore_mem>>)
      %dma_wait3A = arith.constant 0 : i32
      %dma_wait3A_18 = tpu.memref_slice %arg8[%mul3A_2, %dma_wait3A] : memref<10240x16xf32, #tpu.memory_space<vmem_shared>> -> memref<640x16xf32, #tpu.memory_space<vmem_shared>>
      tpu.wait_dma2 semaphore(%run_scoped3A : memref<!tpu.dma_semaphore, #tpu.memory_space<semaphore_mem>>) src(%arg4 : memref<640x16xf32, #tpu.memory_space<hbm>>) dst(%dma_wait3A_18 : memref<640x16xf32, #tpu.memory_space<vmem_shared>>)
      tpu.yield
    }) : () -> ()
    %barrier3A = arith.constant 0 : index
    tpu.barrier barrier_id(%barrier3A)
    %scan3A = arith.constant 0 : i32
    %scan3A_7 = arith.constant 78 : i32
    %scan3A_8 = arith.addi %scan3A, %scan3A_7 : i32
    %scan3A_9 = arith.constant 1 : i32
    scf.for %scan3A_17 = %scan3A to %scan3A_8 step %scan3A_9  : i32 {
      %mul3A_18 = arith.constant 1 : i32
      %mul3A_19 = arith.muli %scan3A_17, %mul3A_18 : i32
      %add3A_20 = arith.constant 0 : i32
      %add3A_21 = arith.addi %add3A_20, %mul3A_19 : i32
      "tpu.region"() ({
        %run_scoped3A = tpu.sem_alloc : memref<!tpu.dma_semaphore, #tpu.memory_space<semaphore_mem>>
        %dma_start3A = arith.constant 0 : i32
        %dma_start3A_22 = tpu.memref_slice %arg6[%add3A_21, %dma_start3A] : memref<79x128xi32, #tpu.memory_space<vmem>> -> memref<1x128xi32, #tpu.memory_space<vmem>>
        %dma_start3A_23 = tpu.memref_squeeze %dma_start3A_22 : memref<1x128xi32, #tpu.memory_space<vmem>> -> memref<128xi32, #tpu.memory_space<vmem>>
        %dma_start3A_24 = arith.constant 0 : i32
        %dma_start3A_25 = arith.constant 0 : i32
        %dma_start3A_26 = tpu.memref_slice %arg8[%dma_start3A_24, %dma_start3A_25] : memref<10240x16xf32, #tpu.memory_space<vmem_shared>> -> memref<10240x16xf32, #tpu.memory_space<vmem_shared>>
        tpu.enqueue_indirect_dma source(%arg7 : memref<128x16xf32, #tpu.memory_space<vmem>>) target(%dma_start3A_26 : memref<10240x16xf32, #tpu.memory_space<vmem_shared>>) offsets(%dma_start3A_23 : memref<128xi32, #tpu.memory_space<vmem>>) semaphore(%run_scoped3A : memref<!tpu.dma_semaphore, #tpu.memory_space<semaphore_mem>>) {add = true}
        %dma_wait3A = arith.constant 0 : i32
        %dma_wait3A_27 = tpu.memref_slice %arg6[%add3A_21, %dma_wait3A] : memref<79x128xi32, #tpu.memory_space<vmem>> -> memref<1x128xi32, #tpu.memory_space<vmem>>
        %dma_wait3A_28 = tpu.memref_squeeze %dma_wait3A_27 : memref<1x128xi32, #tpu.memory_space<vmem>> -> memref<128xi32, #tpu.memory_space<vmem>>
        %dma_wait3A_29 = arith.constant 0 : i32
        %dma_wait3A_30 = arith.constant 0 : i32
        %dma_wait3A_31 = tpu.memref_slice %arg8[%dma_wait3A_29, %dma_wait3A_30] : memref<10240x16xf32, #tpu.memory_space<vmem_shared>> -> memref<10240x16xf32, #tpu.memory_space<vmem_shared>>
        tpu.wait_indirect_dma semaphore(%run_scoped3A : memref<!tpu.dma_semaphore, #tpu.memory_space<semaphore_mem>>) src(%arg7 : memref<128x16xf32, #tpu.memory_space<vmem>>) dst(%dma_wait3A_31 : memref<10240x16xf32, #tpu.memory_space<vmem_shared>>)
        tpu.yield
      }) : () -> ()
    }
    %scan3A_10 = arith.constant 78 : i32
    %lt3A_11 = arith.constant 4 : i32
    %lt3A_12 = arith.cmpi slt, %add3A, %lt3A_11 : i32
    %convert_element_type3A_13 = arith.extui %lt3A_12 : i1 to i32
    %cond3A_14 = arith.constant 0 : i32
    %cond3A_15 = arith.cmpi ne, %convert_element_type3A_13, %cond3A_14 : i32
    scf.if %cond3A_15 {
      %run_scoped3A = arith.constant 78 : i32
      "tpu.region"() ({
        %run_scoped3A_17 = tpu.sem_alloc : memref<!tpu.dma_semaphore, #tpu.memory_space<semaphore_mem>>
        %dma_start3A = arith.constant 0 : i32
        %dma_start3A_18 = tpu.memref_slice %arg6[%run_scoped3A, %dma_start3A] : memref<79x128xi32, #tpu.memory_space<vmem>> -> memref<1x128xi32, #tpu.memory_space<vmem>>
        %dma_start3A_19 = tpu.memref_squeeze %dma_start3A_18 : memref<1x128xi32, #tpu.memory_space<vmem>> -> memref<128xi32, #tpu.memory_space<vmem>>
        %dma_start3A_20 = arith.constant 0 : i32
        %dma_start3A_21 = arith.constant 0 : i32
        %dma_start3A_22 = tpu.memref_slice %arg8[%dma_start3A_20, %dma_start3A_21] : memref<10240x16xf32, #tpu.memory_space<vmem_shared>> -> memref<10240x16xf32, #tpu.memory_space<vmem_shared>>
        tpu.enqueue_indirect_dma source(%arg7 : memref<128x16xf32, #tpu.memory_space<vmem>>) target(%dma_start3A_22 : memref<10240x16xf32, #tpu.memory_space<vmem_shared>>) offsets(%dma_start3A_19 : memref<128xi32, #tpu.memory_space<vmem>>) semaphore(%run_scoped3A_17 : memref<!tpu.dma_semaphore, #tpu.memory_space<semaphore_mem>>) {add = true}
        %dma_wait3A = arith.constant 0 : i32
        %dma_wait3A_23 = tpu.memref_slice %arg6[%run_scoped3A, %dma_wait3A] : memref<79x128xi32, #tpu.memory_space<vmem>> -> memref<1x128xi32, #tpu.memory_space<vmem>>
        %dma_wait3A_24 = tpu.memref_squeeze %dma_wait3A_23 : memref<1x128xi32, #tpu.memory_space<vmem>> -> memref<128xi32, #tpu.memory_space<vmem>>
        %dma_wait3A_25 = arith.constant 0 : i32
        %dma_wait3A_26 = arith.constant 0 : i32
        %dma_wait3A_27 = tpu.memref_slice %arg8[%dma_wait3A_25, %dma_wait3A_26] : memref<10240x16xf32, #tpu.memory_space<vmem_shared>> -> memref<10240x16xf32, #tpu.memory_space<vmem_shared>>
        tpu.wait_indirect_dma semaphore(%run_scoped3A_17 : memref<!tpu.dma_semaphore, #tpu.memory_space<semaphore_mem>>) src(%arg7 : memref<128x16xf32, #tpu.memory_space<vmem>>) dst(%dma_wait3A_27 : memref<10240x16xf32, #tpu.memory_space<vmem_shared>>)
        tpu.yield
      }) : () -> ()
    } else {
    }
    %barrier3A_16 = arith.constant 0 : index
    tpu.barrier barrier_id(%barrier3A_16)
    "tpu.region"() ({
      %run_scoped3A = tpu.sem_alloc : memref<!tpu.dma_semaphore, #tpu.memory_space<semaphore_mem>>
      %dma_start3A = arith.constant 0 : i32
      %dma_start3A_17 = arith.constant 0 : i32
      %dma_start3A_18 = tpu.memref_slice %arg5[%arg0, %dma_start3A, %dma_start3A_17] : memref<2x10240x16xf32, #tpu.memory_space<hbm>> -> memref<1x10240x16xf32, #tpu.memory_space<hbm>>
      %dma_start3A_19 = tpu.memref_squeeze %dma_start3A_18 : memref<1x10240x16xf32, #tpu.memory_space<hbm>> -> memref<10240x16xf32, #tpu.memory_space<hbm>>
      %dma_start3A_20 = arith.constant 0 : i32
      %dma_start3A_21 = tpu.memref_slice %dma_start3A_19[%mul3A_2, %dma_start3A_20] : memref<10240x16xf32, #tpu.memory_space<hbm>> -> memref<640x16xf32, #tpu.memory_space<hbm>>
      %dma_start3A_22 = arith.constant 0 : i32
      %dma_start3A_23 = tpu.memref_slice %arg8[%mul3A_2, %dma_start3A_22] : memref<10240x16xf32, #tpu.memory_space<vmem_shared>> -> memref<640x16xf32, #tpu.memory_space<vmem_shared>>
      tpu.enqueue_dma source(%dma_start3A_23 : memref<640x16xf32, #tpu.memory_space<vmem_shared>>) target(%dma_start3A_21 : memref<640x16xf32, #tpu.memory_space<hbm>>) target_semaphore(%run_scoped3A : memref<!tpu.dma_semaphore, #tpu.memory_space<semaphore_mem>>)
      %dma_wait3A = arith.constant 0 : i32
      %dma_wait3A_24 = arith.constant 0 : i32
      %dma_wait3A_25 = tpu.memref_slice %arg5[%arg0, %dma_wait3A, %dma_wait3A_24] : memref<2x10240x16xf32, #tpu.memory_space<hbm>> -> memref<1x10240x16xf32, #tpu.memory_space<hbm>>
      %dma_wait3A_26 = tpu.memref_squeeze %dma_wait3A_25 : memref<1x10240x16xf32, #tpu.memory_space<hbm>> -> memref<10240x16xf32, #tpu.memory_space<hbm>>
      %dma_wait3A_27 = arith.constant 0 : i32
      %dma_wait3A_28 = tpu.memref_slice %dma_wait3A_26[%mul3A_2, %dma_wait3A_27] : memref<10240x16xf32, #tpu.memory_space<hbm>> -> memref<640x16xf32, #tpu.memory_space<hbm>>
      %dma_wait3A_29 = arith.constant 0 : i32
      %dma_wait3A_30 = tpu.memref_slice %arg8[%mul3A_2, %dma_wait3A_29] : memref<10240x16xf32, #tpu.memory_space<vmem_shared>> -> memref<640x16xf32, #tpu.memory_space<vmem_shared>>
      tpu.wait_dma2 semaphore(%run_scoped3A : memref<!tpu.dma_semaphore, #tpu.memory_space<semaphore_mem>>) src(%dma_wait3A_30 : memref<640x16xf32, #tpu.memory_space<vmem_shared>>) dst(%dma_wait3A_28 : memref<640x16xf32, #tpu.memory_space<hbm>>)
      tpu.yield
    }) : () -> ()
    return
  }
}

#map = affine_map<(d0, d1) -> (0, 0, 0)>
#map1 = affine_map<(d0, d1) -> (0, 0)>
module attributes {stable_mosaic.version = 14 : i64} {
  func.func @_sc_aggregate(%arg0: i32, %arg1: i32, %arg2: memref<2x10240x64xf32, #tpu.memory_space<hbm>>, %arg3: memref<2560x128xi32, #tpu.memory_space<hbm>>, %arg4: memref<2560x128xi32, #tpu.memory_space<hbm>>, %arg5: memref<2x10240x64xf32, #tpu.memory_space<hbm>>, %arg6: memref<160x128xi32, #tpu.memory_space<vmem>>, %arg7: memref<160x128xi32, #tpu.memory_space<vmem>>, %arg8: memref<128x64xf32, #tpu.memory_space<vmem>>, %arg9: memref<128x64xf32, #tpu.memory_space<vmem>>, %arg10: memref<128x64xf32, #tpu.memory_space<vmem>>, %arg11: memref<128x64xf32, #tpu.memory_space<vmem>>, %arg12: memref<10240x64xf32, #tpu.memory_space<vmem_shared>>, %arg13: memref<!tpu.dma_semaphore, #tpu.memory_space<semaphore_mem>>, %arg14: memref<!tpu.dma_semaphore, #tpu.memory_space<semaphore_mem>>, %arg15: memref<!tpu.dma_semaphore, #tpu.memory_space<semaphore_mem>>, %arg16: memref<!tpu.dma_semaphore, #tpu.memory_space<semaphore_mem>>, %arg17: memref<!tpu.dma_semaphore, #tpu.memory_space<semaphore_mem>>, %arg18: memref<!tpu.dma_semaphore, #tpu.memory_space<semaphore_mem>>, %arg19: memref<!tpu.dma_semaphore, #tpu.memory_space<semaphore_mem>>, %arg20: memref<!tpu.dma_semaphore, #tpu.memory_space<semaphore_mem>>) attributes {dimension_semantics = [#tpu.dimension_semantics<core_parallel>, #tpu.dimension_semantics<subcore_parallel>], iteration_bounds = array<i64: 2, 16>, scalar_prefetch = 0 : i64, scratch_operands = 15 : i64, tpu.core_type = #tpu.core_type<sc_vector_subcore>, window_params = [{transform_indices = #map}, {transform_indices = #map1}, {transform_indices = #map1}, {transform_indices = #map}]} {
    %mul3A = arith.constant 640 : i32
    %mul3A_0 = arith.muli %arg1, %mul3A : i32
    %mul3A_1 = arith.constant 2 : i32
    %mul3A_2 = arith.muli %mul3A_1, %arg1 : i32
    %mul3A_3 = arith.constant 80 : i32
    %mul3A_4 = arith.muli %mul3A_2, %mul3A_3 : i32
    "tpu.region"() ({
      %run_scoped3A = tpu.sem_alloc : memref<!tpu.dma_semaphore, #tpu.memory_space<semaphore_mem>>
      %dma_start3A_84 = arith.constant 0 : i32
      %dma_start3A_85 = tpu.memref_slice %arg3[%mul3A_4, %dma_start3A_84] : memref<2560x128xi32, #tpu.memory_space<hbm>> -> memref<160x128xi32, #tpu.memory_space<hbm>>
      %dma_start3A_86 = arith.constant 0 : i32
      %dma_start3A_87 = tpu.memref_slice %arg3[%mul3A_4, %dma_start3A_86] : memref<2560x128xi32, #tpu.memory_space<hbm>> -> memref<160x128xi32, #tpu.memory_space<hbm>>
      tpu.enqueue_dma source(%dma_start3A_87 : memref<160x128xi32, #tpu.memory_space<hbm>>) target(%arg6 : memref<160x128xi32, #tpu.memory_space<vmem>>) target_semaphore(%run_scoped3A : memref<!tpu.dma_semaphore, #tpu.memory_space<semaphore_mem>>)
      %dma_wait3A_88 = arith.constant 0 : i32
      %dma_wait3A_89 = tpu.memref_slice %arg3[%mul3A_4, %dma_wait3A_88] : memref<2560x128xi32, #tpu.memory_space<hbm>> -> memref<160x128xi32, #tpu.memory_space<hbm>>
      %dma_wait3A_90 = arith.constant 0 : i32
      %dma_wait3A_91 = tpu.memref_slice %arg3[%mul3A_4, %dma_wait3A_90] : memref<2560x128xi32, #tpu.memory_space<hbm>> -> memref<160x128xi32, #tpu.memory_space<hbm>>
      tpu.wait_dma2 semaphore(%run_scoped3A : memref<!tpu.dma_semaphore, #tpu.memory_space<semaphore_mem>>) src(%dma_wait3A_91 : memref<160x128xi32, #tpu.memory_space<hbm>>) dst(%arg6 : memref<160x128xi32, #tpu.memory_space<vmem>>)
      tpu.yield
    }) : () -> ()
    %mul3A_5 = arith.constant 2 : i32
    %mul3A_6 = arith.muli %mul3A_5, %arg1 : i32
    %mul3A_7 = arith.constant 80 : i32
    %mul3A_8 = arith.muli %mul3A_6, %mul3A_7 : i32
    "tpu.region"() ({
      %run_scoped3A = tpu.sem_alloc : memref<!tpu.dma_semaphore, #tpu.memory_space<semaphore_mem>>
      %dma_start3A_84 = arith.constant 0 : i32
      %dma_start3A_85 = tpu.memref_slice %arg4[%mul3A_8, %dma_start3A_84] : memref<2560x128xi32, #tpu.memory_space<hbm>> -> memref<160x128xi32, #tpu.memory_space<hbm>>
      %dma_start3A_86 = arith.constant 0 : i32
      %dma_start3A_87 = tpu.memref_slice %arg4[%mul3A_8, %dma_start3A_86] : memref<2560x128xi32, #tpu.memory_space<hbm>> -> memref<160x128xi32, #tpu.memory_space<hbm>>
      tpu.enqueue_dma source(%dma_start3A_87 : memref<160x128xi32, #tpu.memory_space<hbm>>) target(%arg7 : memref<160x128xi32, #tpu.memory_space<vmem>>) target_semaphore(%run_scoped3A : memref<!tpu.dma_semaphore, #tpu.memory_space<semaphore_mem>>)
      %dma_wait3A_88 = arith.constant 0 : i32
      %dma_wait3A_89 = tpu.memref_slice %arg4[%mul3A_8, %dma_wait3A_88] : memref<2560x128xi32, #tpu.memory_space<hbm>> -> memref<160x128xi32, #tpu.memory_space<hbm>>
      %dma_wait3A_90 = arith.constant 0 : i32
      %dma_wait3A_91 = tpu.memref_slice %arg4[%mul3A_8, %dma_wait3A_90] : memref<2560x128xi32, #tpu.memory_space<hbm>> -> memref<160x128xi32, #tpu.memory_space<hbm>>
      tpu.wait_dma2 semaphore(%run_scoped3A : memref<!tpu.dma_semaphore, #tpu.memory_space<semaphore_mem>>) src(%dma_wait3A_91 : memref<160x128xi32, #tpu.memory_space<hbm>>) dst(%arg7 : memref<160x128xi32, #tpu.memory_space<vmem>>)
      tpu.yield
    }) : () -> ()
    "tpu.region"() ({
      %run_scoped3A = tpu.sem_alloc : memref<!tpu.dma_semaphore, #tpu.memory_space<semaphore_mem>>
      %dma_start3A_84 = arith.constant 0 : i32
      %dma_start3A_85 = tpu.memref_slice %arg12[%mul3A_0, %dma_start3A_84] : memref<10240x64xf32, #tpu.memory_space<vmem_shared>> -> memref<640x64xf32, #tpu.memory_space<vmem_shared>>
      %dma_start3A_86 = arith.constant 0 : i32
      %dma_start3A_87 = arith.constant 0 : i32
      %dma_start3A_88 = tpu.memref_slice %arg2[%arg0, %dma_start3A_86, %dma_start3A_87] : memref<2x10240x64xf32, #tpu.memory_space<hbm>> -> memref<1x10240x64xf32, #tpu.memory_space<hbm>>
      %dma_start3A_89 = tpu.memref_squeeze %dma_start3A_88 : memref<1x10240x64xf32, #tpu.memory_space<hbm>> -> memref<10240x64xf32, #tpu.memory_space<hbm>>
      %dma_start3A_90 = arith.constant 0 : i32
      %dma_start3A_91 = tpu.memref_slice %dma_start3A_89[%mul3A_0, %dma_start3A_90] : memref<10240x64xf32, #tpu.memory_space<hbm>> -> memref<640x64xf32, #tpu.memory_space<hbm>>
      tpu.enqueue_dma source(%dma_start3A_91 : memref<640x64xf32, #tpu.memory_space<hbm>>) target(%dma_start3A_85 : memref<640x64xf32, #tpu.memory_space<vmem_shared>>) target_semaphore(%run_scoped3A : memref<!tpu.dma_semaphore, #tpu.memory_space<semaphore_mem>>)
      %dma_wait3A_92 = arith.constant 0 : i32
      %dma_wait3A_93 = tpu.memref_slice %arg12[%mul3A_0, %dma_wait3A_92] : memref<10240x64xf32, #tpu.memory_space<vmem_shared>> -> memref<640x64xf32, #tpu.memory_space<vmem_shared>>
      %dma_wait3A_94 = arith.constant 0 : i32
      %dma_wait3A_95 = arith.constant 0 : i32
      %dma_wait3A_96 = tpu.memref_slice %arg2[%arg0, %dma_wait3A_94, %dma_wait3A_95] : memref<2x10240x64xf32, #tpu.memory_space<hbm>> -> memref<1x10240x64xf32, #tpu.memory_space<hbm>>
      %dma_wait3A_97 = tpu.memref_squeeze %dma_wait3A_96 : memref<1x10240x64xf32, #tpu.memory_space<hbm>> -> memref<10240x64xf32, #tpu.memory_space<hbm>>
      %dma_wait3A_98 = arith.constant 0 : i32
      %dma_wait3A_99 = tpu.memref_slice %dma_wait3A_97[%mul3A_0, %dma_wait3A_98] : memref<10240x64xf32, #tpu.memory_space<hbm>> -> memref<640x64xf32, #tpu.memory_space<hbm>>
      tpu.wait_dma2 semaphore(%run_scoped3A : memref<!tpu.dma_semaphore, #tpu.memory_space<semaphore_mem>>) src(%dma_wait3A_99 : memref<640x64xf32, #tpu.memory_space<hbm>>) dst(%dma_wait3A_93 : memref<640x64xf32, #tpu.memory_space<vmem_shared>>)
      tpu.yield
    }) : () -> ()
    %barrier3A = arith.constant 0 : index
    tpu.barrier barrier_id(%barrier3A)
    %dma_start3A = arith.constant 0 : i32
    %dma_start3A_9 = arith.constant 0 : i32
    %dma_start3A_10 = tpu.memref_slice %arg6[%dma_start3A, %dma_start3A_9] : memref<160x128xi32, #tpu.memory_space<vmem>> -> memref<1x128xi32, #tpu.memory_space<vmem>>
    %dma_start3A_11 = tpu.memref_squeeze %dma_start3A_10 : memref<1x128xi32, #tpu.memory_space<vmem>> -> memref<128xi32, #tpu.memory_space<vmem>>
    %dma_start3A_12 = arith.constant 0 : i32
    %dma_start3A_13 = arith.constant 0 : i32
    %dma_start3A_14 = tpu.memref_slice %arg2[%arg0, %dma_start3A_12, %dma_start3A_13] : memref<2x10240x64xf32, #tpu.memory_space<hbm>> -> memref<1x10240x64xf32, #tpu.memory_space<hbm>>
    %dma_start3A_15 = tpu.memref_squeeze %dma_start3A_14 : memref<1x10240x64xf32, #tpu.memory_space<hbm>> -> memref<10240x64xf32, #tpu.memory_space<hbm>>
    %dma_start3A_16 = arith.constant 0 : i32
    %dma_start3A_17 = arith.constant 0 : i32
    %dma_start3A_18 = tpu.memref_slice %dma_start3A_15[%dma_start3A_16, %dma_start3A_17] : memref<10240x64xf32, #tpu.memory_space<hbm>> -> memref<10240x64xf32, #tpu.memory_space<hbm>>
    tpu.enqueue_indirect_dma source(%dma_start3A_18 : memref<10240x64xf32, #tpu.memory_space<hbm>>) target(%arg8 : memref<128x64xf32, #tpu.memory_space<vmem>>) offsets(%dma_start3A_11 : memref<128xi32, #tpu.memory_space<vmem>>) semaphore(%arg13 : memref<!tpu.dma_semaphore, #tpu.memory_space<semaphore_mem>>)
    %dma_start3A_19 = arith.constant 1 : i32
    %dma_start3A_20 = arith.constant 0 : i32
    %dma_start3A_21 = tpu.memref_slice %arg6[%dma_start3A_19, %dma_start3A_20] : memref<160x128xi32, #tpu.memory_space<vmem>> -> memref<1x128xi32, #tpu.memory_space<vmem>>
    %dma_start3A_22 = tpu.memref_squeeze %dma_start3A_21 : memref<1x128xi32, #tpu.memory_space<vmem>> -> memref<128xi32, #tpu.memory_space<vmem>>
    %dma_start3A_23 = arith.constant 0 : i32
    %dma_start3A_24 = arith.constant 0 : i32
    %dma_start3A_25 = tpu.memref_slice %arg2[%arg0, %dma_start3A_23, %dma_start3A_24] : memref<2x10240x64xf32, #tpu.memory_space<hbm>> -> memref<1x10240x64xf32, #tpu.memory_space<hbm>>
    %dma_start3A_26 = tpu.memref_squeeze %dma_start3A_25 : memref<1x10240x64xf32, #tpu.memory_space<hbm>> -> memref<10240x64xf32, #tpu.memory_space<hbm>>
    %dma_start3A_27 = arith.constant 0 : i32
    %dma_start3A_28 = arith.constant 0 : i32
    %dma_start3A_29 = tpu.memref_slice %dma_start3A_26[%dma_start3A_27, %dma_start3A_28] : memref<10240x64xf32, #tpu.memory_space<hbm>> -> memref<10240x64xf32, #tpu.memory_space<hbm>>
    tpu.enqueue_indirect_dma source(%dma_start3A_29 : memref<10240x64xf32, #tpu.memory_space<hbm>>) target(%arg9 : memref<128x64xf32, #tpu.memory_space<vmem>>) offsets(%dma_start3A_22 : memref<128xi32, #tpu.memory_space<vmem>>) semaphore(%arg14 : memref<!tpu.dma_semaphore, #tpu.memory_space<semaphore_mem>>)
    %dma_start3A_30 = arith.constant 2 : i32
    %dma_start3A_31 = arith.constant 0 : i32
    %dma_start3A_32 = tpu.memref_slice %arg6[%dma_start3A_30, %dma_start3A_31] : memref<160x128xi32, #tpu.memory_space<vmem>> -> memref<1x128xi32, #tpu.memory_space<vmem>>
    %dma_start3A_33 = tpu.memref_squeeze %dma_start3A_32 : memref<1x128xi32, #tpu.memory_space<vmem>> -> memref<128xi32, #tpu.memory_space<vmem>>
    %dma_start3A_34 = arith.constant 0 : i32
    %dma_start3A_35 = arith.constant 0 : i32
    %dma_start3A_36 = tpu.memref_slice %arg2[%arg0, %dma_start3A_34, %dma_start3A_35] : memref<2x10240x64xf32, #tpu.memory_space<hbm>> -> memref<1x10240x64xf32, #tpu.memory_space<hbm>>
    %dma_start3A_37 = tpu.memref_squeeze %dma_start3A_36 : memref<1x10240x64xf32, #tpu.memory_space<hbm>> -> memref<10240x64xf32, #tpu.memory_space<hbm>>
    %dma_start3A_38 = arith.constant 0 : i32
    %dma_start3A_39 = arith.constant 0 : i32
    %dma_start3A_40 = tpu.memref_slice %dma_start3A_37[%dma_start3A_38, %dma_start3A_39] : memref<10240x64xf32, #tpu.memory_space<hbm>> -> memref<10240x64xf32, #tpu.memory_space<hbm>>
    tpu.enqueue_indirect_dma source(%dma_start3A_40 : memref<10240x64xf32, #tpu.memory_space<hbm>>) target(%arg10 : memref<128x64xf32, #tpu.memory_space<vmem>>) offsets(%dma_start3A_33 : memref<128xi32, #tpu.memory_space<vmem>>) semaphore(%arg15 : memref<!tpu.dma_semaphore, #tpu.memory_space<semaphore_mem>>)
    %dma_start3A_41 = arith.constant 3 : i32
    %dma_start3A_42 = arith.constant 0 : i32
    %dma_start3A_43 = tpu.memref_slice %arg6[%dma_start3A_41, %dma_start3A_42] : memref<160x128xi32, #tpu.memory_space<vmem>> -> memref<1x128xi32, #tpu.memory_space<vmem>>
    %dma_start3A_44 = tpu.memref_squeeze %dma_start3A_43 : memref<1x128xi32, #tpu.memory_space<vmem>> -> memref<128xi32, #tpu.memory_space<vmem>>
    %dma_start3A_45 = arith.constant 0 : i32
    %dma_start3A_46 = arith.constant 0 : i32
    %dma_start3A_47 = tpu.memref_slice %arg2[%arg0, %dma_start3A_45, %dma_start3A_46] : memref<2x10240x64xf32, #tpu.memory_space<hbm>> -> memref<1x10240x64xf32, #tpu.memory_space<hbm>>
    %dma_start3A_48 = tpu.memref_squeeze %dma_start3A_47 : memref<1x10240x64xf32, #tpu.memory_space<hbm>> -> memref<10240x64xf32, #tpu.memory_space<hbm>>
    %dma_start3A_49 = arith.constant 0 : i32
    %dma_start3A_50 = arith.constant 0 : i32
    %dma_start3A_51 = tpu.memref_slice %dma_start3A_48[%dma_start3A_49, %dma_start3A_50] : memref<10240x64xf32, #tpu.memory_space<hbm>> -> memref<10240x64xf32, #tpu.memory_space<hbm>>
    tpu.enqueue_indirect_dma source(%dma_start3A_51 : memref<10240x64xf32, #tpu.memory_space<hbm>>) target(%arg11 : memref<128x64xf32, #tpu.memory_space<vmem>>) offsets(%dma_start3A_44 : memref<128xi32, #tpu.memory_space<vmem>>) semaphore(%arg16 : memref<!tpu.dma_semaphore, #tpu.memory_space<semaphore_mem>>)
    %scan3A = arith.constant 0 : i32
    %scan3A_52 = arith.constant 40 : i32
    %scan3A_53 = arith.addi %scan3A, %scan3A_52 : i32
    %scan3A_54 = arith.constant 1 : i32
    scf.for %scan3A_84 = %scan3A to %scan3A_53 step %scan3A_54  : i32 {
      %mul3A_85 = arith.constant 4 : i32
      %mul3A_86 = arith.muli %scan3A_84, %mul3A_85 : i32
      %add3A = arith.constant 0 : i32
      %add3A_87 = arith.addi %add3A, %mul3A_86 : i32
      %add3A_88 = arith.constant 0 : i32
      %add3A_89 = arith.addi %add3A_87, %add3A_88 : i32
      %dma_wait3A_90 = arith.constant 0 : i32
      %dma_wait3A_91 = tpu.memref_slice %arg6[%add3A_89, %dma_wait3A_90] : memref<160x128xi32, #tpu.memory_space<vmem>> -> memref<1x128xi32, #tpu.memory_space<vmem>>
      %dma_wait3A_92 = tpu.memref_squeeze %dma_wait3A_91 : memref<1x128xi32, #tpu.memory_space<vmem>> -> memref<128xi32, #tpu.memory_space<vmem>>
      %dma_wait3A_93 = arith.constant 0 : i32
      %dma_wait3A_94 = arith.constant 0 : i32
      %dma_wait3A_95 = tpu.memref_slice %arg2[%arg0, %dma_wait3A_93, %dma_wait3A_94] : memref<2x10240x64xf32, #tpu.memory_space<hbm>> -> memref<1x10240x64xf32, #tpu.memory_space<hbm>>
      %dma_wait3A_96 = tpu.memref_squeeze %dma_wait3A_95 : memref<1x10240x64xf32, #tpu.memory_space<hbm>> -> memref<10240x64xf32, #tpu.memory_space<hbm>>
      %dma_wait3A_97 = arith.constant 0 : i32
      %dma_wait3A_98 = arith.constant 0 : i32
      %dma_wait3A_99 = tpu.memref_slice %dma_wait3A_96[%dma_wait3A_97, %dma_wait3A_98] : memref<10240x64xf32, #tpu.memory_space<hbm>> -> memref<10240x64xf32, #tpu.memory_space<hbm>>
      tpu.wait_indirect_dma semaphore(%arg13 : memref<!tpu.dma_semaphore, #tpu.memory_space<semaphore_mem>>) src(%dma_wait3A_99 : memref<10240x64xf32, #tpu.memory_space<hbm>>) dst(%arg8 : memref<128x64xf32, #tpu.memory_space<vmem>>)
      %dma_start3A_100 = arith.constant 0 : i32
      %dma_start3A_101 = tpu.memref_slice %arg7[%add3A_89, %dma_start3A_100] : memref<160x128xi32, #tpu.memory_space<vmem>> -> memref<1x128xi32, #tpu.memory_space<vmem>>
      %dma_start3A_102 = tpu.memref_squeeze %dma_start3A_101 : memref<1x128xi32, #tpu.memory_space<vmem>> -> memref<128xi32, #tpu.memory_space<vmem>>
      %dma_start3A_103 = arith.constant 0 : i32
      %dma_start3A_104 = arith.constant 0 : i32
      %dma_start3A_105 = tpu.memref_slice %arg12[%dma_start3A_103, %dma_start3A_104] : memref<10240x64xf32, #tpu.memory_space<vmem_shared>> -> memref<10240x64xf32, #tpu.memory_space<vmem_shared>>
      tpu.enqueue_indirect_dma source(%arg8 : memref<128x64xf32, #tpu.memory_space<vmem>>) target(%dma_start3A_105 : memref<10240x64xf32, #tpu.memory_space<vmem_shared>>) offsets(%dma_start3A_102 : memref<128xi32, #tpu.memory_space<vmem>>) semaphore(%arg17 : memref<!tpu.dma_semaphore, #tpu.memory_space<semaphore_mem>>) {add = true}
      %add3A_106 = arith.constant 1 : i32
      %add3A_107 = arith.addi %add3A_87, %add3A_106 : i32
      %dma_wait3A_108 = arith.constant 0 : i32
      %dma_wait3A_109 = tpu.memref_slice %arg6[%add3A_107, %dma_wait3A_108] : memref<160x128xi32, #tpu.memory_space<vmem>> -> memref<1x128xi32, #tpu.memory_space<vmem>>
      %dma_wait3A_110 = tpu.memref_squeeze %dma_wait3A_109 : memref<1x128xi32, #tpu.memory_space<vmem>> -> memref<128xi32, #tpu.memory_space<vmem>>
      %dma_wait3A_111 = arith.constant 0 : i32
      %dma_wait3A_112 = arith.constant 0 : i32
      %dma_wait3A_113 = tpu.memref_slice %arg2[%arg0, %dma_wait3A_111, %dma_wait3A_112] : memref<2x10240x64xf32, #tpu.memory_space<hbm>> -> memref<1x10240x64xf32, #tpu.memory_space<hbm>>
      %dma_wait3A_114 = tpu.memref_squeeze %dma_wait3A_113 : memref<1x10240x64xf32, #tpu.memory_space<hbm>> -> memref<10240x64xf32, #tpu.memory_space<hbm>>
      %dma_wait3A_115 = arith.constant 0 : i32
      %dma_wait3A_116 = arith.constant 0 : i32
      %dma_wait3A_117 = tpu.memref_slice %dma_wait3A_114[%dma_wait3A_115, %dma_wait3A_116] : memref<10240x64xf32, #tpu.memory_space<hbm>> -> memref<10240x64xf32, #tpu.memory_space<hbm>>
      tpu.wait_indirect_dma semaphore(%arg14 : memref<!tpu.dma_semaphore, #tpu.memory_space<semaphore_mem>>) src(%dma_wait3A_117 : memref<10240x64xf32, #tpu.memory_space<hbm>>) dst(%arg9 : memref<128x64xf32, #tpu.memory_space<vmem>>)
      %dma_start3A_118 = arith.constant 0 : i32
      %dma_start3A_119 = tpu.memref_slice %arg7[%add3A_107, %dma_start3A_118] : memref<160x128xi32, #tpu.memory_space<vmem>> -> memref<1x128xi32, #tpu.memory_space<vmem>>
      %dma_start3A_120 = tpu.memref_squeeze %dma_start3A_119 : memref<1x128xi32, #tpu.memory_space<vmem>> -> memref<128xi32, #tpu.memory_space<vmem>>
      %dma_start3A_121 = arith.constant 0 : i32
      %dma_start3A_122 = arith.constant 0 : i32
      %dma_start3A_123 = tpu.memref_slice %arg12[%dma_start3A_121, %dma_start3A_122] : memref<10240x64xf32, #tpu.memory_space<vmem_shared>> -> memref<10240x64xf32, #tpu.memory_space<vmem_shared>>
      tpu.enqueue_indirect_dma source(%arg9 : memref<128x64xf32, #tpu.memory_space<vmem>>) target(%dma_start3A_123 : memref<10240x64xf32, #tpu.memory_space<vmem_shared>>) offsets(%dma_start3A_120 : memref<128xi32, #tpu.memory_space<vmem>>) semaphore(%arg18 : memref<!tpu.dma_semaphore, #tpu.memory_space<semaphore_mem>>) {add = true}
      %add3A_124 = arith.constant 2 : i32
      %add3A_125 = arith.addi %add3A_87, %add3A_124 : i32
      %dma_wait3A_126 = arith.constant 0 : i32
      %dma_wait3A_127 = tpu.memref_slice %arg6[%add3A_125, %dma_wait3A_126] : memref<160x128xi32, #tpu.memory_space<vmem>> -> memref<1x128xi32, #tpu.memory_space<vmem>>
      %dma_wait3A_128 = tpu.memref_squeeze %dma_wait3A_127 : memref<1x128xi32, #tpu.memory_space<vmem>> -> memref<128xi32, #tpu.memory_space<vmem>>
      %dma_wait3A_129 = arith.constant 0 : i32
      %dma_wait3A_130 = arith.constant 0 : i32
      %dma_wait3A_131 = tpu.memref_slice %arg2[%arg0, %dma_wait3A_129, %dma_wait3A_130] : memref<2x10240x64xf32, #tpu.memory_space<hbm>> -> memref<1x10240x64xf32, #tpu.memory_space<hbm>>
      %dma_wait3A_132 = tpu.memref_squeeze %dma_wait3A_131 : memref<1x10240x64xf32, #tpu.memory_space<hbm>> -> memref<10240x64xf32, #tpu.memory_space<hbm>>
      %dma_wait3A_133 = arith.constant 0 : i32
      %dma_wait3A_134 = arith.constant 0 : i32
      %dma_wait3A_135 = tpu.memref_slice %dma_wait3A_132[%dma_wait3A_133, %dma_wait3A_134] : memref<10240x64xf32, #tpu.memory_space<hbm>> -> memref<10240x64xf32, #tpu.memory_space<hbm>>
      tpu.wait_indirect_dma semaphore(%arg15 : memref<!tpu.dma_semaphore, #tpu.memory_space<semaphore_mem>>) src(%dma_wait3A_135 : memref<10240x64xf32, #tpu.memory_space<hbm>>) dst(%arg10 : memref<128x64xf32, #tpu.memory_space<vmem>>)
      %dma_start3A_136 = arith.constant 0 : i32
      %dma_start3A_137 = tpu.memref_slice %arg7[%add3A_125, %dma_start3A_136] : memref<160x128xi32, #tpu.memory_space<vmem>> -> memref<1x128xi32, #tpu.memory_space<vmem>>
      %dma_start3A_138 = tpu.memref_squeeze %dma_start3A_137 : memref<1x128xi32, #tpu.memory_space<vmem>> -> memref<128xi32, #tpu.memory_space<vmem>>
      %dma_start3A_139 = arith.constant 0 : i32
      %dma_start3A_140 = arith.constant 0 : i32
      %dma_start3A_141 = tpu.memref_slice %arg12[%dma_start3A_139, %dma_start3A_140] : memref<10240x64xf32, #tpu.memory_space<vmem_shared>> -> memref<10240x64xf32, #tpu.memory_space<vmem_shared>>
      tpu.enqueue_indirect_dma source(%arg10 : memref<128x64xf32, #tpu.memory_space<vmem>>) target(%dma_start3A_141 : memref<10240x64xf32, #tpu.memory_space<vmem_shared>>) offsets(%dma_start3A_138 : memref<128xi32, #tpu.memory_space<vmem>>) semaphore(%arg19 : memref<!tpu.dma_semaphore, #tpu.memory_space<semaphore_mem>>) {add = true}
      %add3A_142 = arith.constant 3 : i32
      %add3A_143 = arith.addi %add3A_87, %add3A_142 : i32
      %dma_wait3A_144 = arith.constant 0 : i32
      %dma_wait3A_145 = tpu.memref_slice %arg6[%add3A_143, %dma_wait3A_144] : memref<160x128xi32, #tpu.memory_space<vmem>> -> memref<1x128xi32, #tpu.memory_space<vmem>>
      %dma_wait3A_146 = tpu.memref_squeeze %dma_wait3A_145 : memref<1x128xi32, #tpu.memory_space<vmem>> -> memref<128xi32, #tpu.memory_space<vmem>>
      %dma_wait3A_147 = arith.constant 0 : i32
      %dma_wait3A_148 = arith.constant 0 : i32
      %dma_wait3A_149 = tpu.memref_slice %arg2[%arg0, %dma_wait3A_147, %dma_wait3A_148] : memref<2x10240x64xf32, #tpu.memory_space<hbm>> -> memref<1x10240x64xf32, #tpu.memory_space<hbm>>
      %dma_wait3A_150 = tpu.memref_squeeze %dma_wait3A_149 : memref<1x10240x64xf32, #tpu.memory_space<hbm>> -> memref<10240x64xf32, #tpu.memory_space<hbm>>
      %dma_wait3A_151 = arith.constant 0 : i32
      %dma_wait3A_152 = arith.constant 0 : i32
      %dma_wait3A_153 = tpu.memref_slice %dma_wait3A_150[%dma_wait3A_151, %dma_wait3A_152] : memref<10240x64xf32, #tpu.memory_space<hbm>> -> memref<10240x64xf32, #tpu.memory_space<hbm>>
      tpu.wait_indirect_dma semaphore(%arg16 : memref<!tpu.dma_semaphore, #tpu.memory_space<semaphore_mem>>) src(%dma_wait3A_153 : memref<10240x64xf32, #tpu.memory_space<hbm>>) dst(%arg11 : memref<128x64xf32, #tpu.memory_space<vmem>>)
      %dma_start3A_154 = arith.constant 0 : i32
      %dma_start3A_155 = tpu.memref_slice %arg7[%add3A_143, %dma_start3A_154] : memref<160x128xi32, #tpu.memory_space<vmem>> -> memref<1x128xi32, #tpu.memory_space<vmem>>
      %dma_start3A_156 = tpu.memref_squeeze %dma_start3A_155 : memref<1x128xi32, #tpu.memory_space<vmem>> -> memref<128xi32, #tpu.memory_space<vmem>>
      %dma_start3A_157 = arith.constant 0 : i32
      %dma_start3A_158 = arith.constant 0 : i32
      %dma_start3A_159 = tpu.memref_slice %arg12[%dma_start3A_157, %dma_start3A_158] : memref<10240x64xf32, #tpu.memory_space<vmem_shared>> -> memref<10240x64xf32, #tpu.memory_space<vmem_shared>>
      tpu.enqueue_indirect_dma source(%arg11 : memref<128x64xf32, #tpu.memory_space<vmem>>) target(%dma_start3A_159 : memref<10240x64xf32, #tpu.memory_space<vmem_shared>>) offsets(%dma_start3A_156 : memref<128xi32, #tpu.memory_space<vmem>>) semaphore(%arg20 : memref<!tpu.dma_semaphore, #tpu.memory_space<semaphore_mem>>) {add = true}
      %add3A_160 = arith.constant 0 : i32
      %add3A_161 = arith.addi %add3A_87, %add3A_160 : i32
      %add3A_162 = arith.constant 4 : i32
      %add3A_163 = arith.addi %add3A_161, %add3A_162 : i32
      %lt3A = arith.constant 160 : i32
      %lt3A_164 = arith.cmpi slt, %add3A_163, %lt3A : i32
      %convert_element_type3A = arith.extui %lt3A_164 : i1 to i32
      %cond3A = arith.constant 0 : i32
      %cond3A_165 = arith.cmpi ne, %convert_element_type3A, %cond3A : i32
      scf.if %cond3A_165 {
        %dma_wait3A_193 = arith.constant 0 : i32
        %dma_wait3A_194 = arith.constant 0 : i32
        %dma_wait3A_195 = tpu.memref_slice %arg7[%dma_wait3A_193, %dma_wait3A_194] : memref<160x128xi32, #tpu.memory_space<vmem>> -> memref<1x128xi32, #tpu.memory_space<vmem>>
        %dma_wait3A_196 = tpu.memref_squeeze %dma_wait3A_195 : memref<1x128xi32, #tpu.memory_space<vmem>> -> memref<128xi32, #tpu.memory_space<vmem>>
        %dma_wait3A_197 = arith.constant 0 : i32
        %dma_wait3A_198 = arith.constant 0 : i32
        %dma_wait3A_199 = tpu.memref_slice %arg12[%dma_wait3A_197, %dma_wait3A_198] : memref<10240x64xf32, #tpu.memory_space<vmem_shared>> -> memref<10240x64xf32, #tpu.memory_space<vmem_shared>>
        tpu.wait_indirect_dma semaphore(%arg17 : memref<!tpu.dma_semaphore, #tpu.memory_space<semaphore_mem>>) src(%arg8 : memref<128x64xf32, #tpu.memory_space<vmem>>) dst(%dma_wait3A_199 : memref<10240x64xf32, #tpu.memory_space<vmem_shared>>)
        %dma_start3A_200 = arith.constant 0 : i32
        %dma_start3A_201 = tpu.memref_slice %arg6[%add3A_163, %dma_start3A_200] : memref<160x128xi32, #tpu.memory_space<vmem>> -> memref<1x128xi32, #tpu.memory_space<vmem>>
        %dma_start3A_202 = tpu.memref_squeeze %dma_start3A_201 : memref<1x128xi32, #tpu.memory_space<vmem>> -> memref<128xi32, #tpu.memory_space<vmem>>
        %dma_start3A_203 = arith.constant 0 : i32
        %dma_start3A_204 = arith.constant 0 : i32
        %dma_start3A_205 = tpu.memref_slice %arg2[%arg0, %dma_start3A_203, %dma_start3A_204] : memref<2x10240x64xf32, #tpu.memory_space<hbm>> -> memref<1x10240x64xf32, #tpu.memory_space<hbm>>
        %dma_start3A_206 = tpu.memref_squeeze %dma_start3A_205 : memref<1x10240x64xf32, #tpu.memory_space<hbm>> -> memref<10240x64xf32, #tpu.memory_space<hbm>>
        %dma_start3A_207 = arith.constant 0 : i32
        %dma_start3A_208 = arith.constant 0 : i32
        %dma_start3A_209 = tpu.memref_slice %dma_start3A_206[%dma_start3A_207, %dma_start3A_208] : memref<10240x64xf32, #tpu.memory_space<hbm>> -> memref<10240x64xf32, #tpu.memory_space<hbm>>
        tpu.enqueue_indirect_dma source(%dma_start3A_209 : memref<10240x64xf32, #tpu.memory_space<hbm>>) target(%arg8 : memref<128x64xf32, #tpu.memory_space<vmem>>) offsets(%dma_start3A_202 : memref<128xi32, #tpu.memory_space<vmem>>) semaphore(%arg13 : memref<!tpu.dma_semaphore, #tpu.memory_space<semaphore_mem>>)
      } else {
      }
      %add3A_166 = arith.constant 1 : i32
      %add3A_167 = arith.addi %add3A_87, %add3A_166 : i32
      %add3A_168 = arith.constant 4 : i32
      %add3A_169 = arith.addi %add3A_167, %add3A_168 : i32
      %lt3A_170 = arith.constant 160 : i32
      %lt3A_171 = arith.cmpi slt, %add3A_169, %lt3A_170 : i32
      %convert_element_type3A_172 = arith.extui %lt3A_171 : i1 to i32
      %cond3A_173 = arith.constant 0 : i32
      %cond3A_174 = arith.cmpi ne, %convert_element_type3A_172, %cond3A_173 : i32
      scf.if %cond3A_174 {
        %dma_wait3A_193 = arith.constant 0 : i32
        %dma_wait3A_194 = arith.constant 0 : i32
        %dma_wait3A_195 = tpu.memref_slice %arg7[%dma_wait3A_193, %dma_wait3A_194] : memref<160x128xi32, #tpu.memory_space<vmem>> -> memref<1x128xi32, #tpu.memory_space<vmem>>
        %dma_wait3A_196 = tpu.memref_squeeze %dma_wait3A_195 : memref<1x128xi32, #tpu.memory_space<vmem>> -> memref<128xi32, #tpu.memory_space<vmem>>
        %dma_wait3A_197 = arith.constant 0 : i32
        %dma_wait3A_198 = arith.constant 0 : i32
        %dma_wait3A_199 = tpu.memref_slice %arg12[%dma_wait3A_197, %dma_wait3A_198] : memref<10240x64xf32, #tpu.memory_space<vmem_shared>> -> memref<10240x64xf32, #tpu.memory_space<vmem_shared>>
        tpu.wait_indirect_dma semaphore(%arg18 : memref<!tpu.dma_semaphore, #tpu.memory_space<semaphore_mem>>) src(%arg9 : memref<128x64xf32, #tpu.memory_space<vmem>>) dst(%dma_wait3A_199 : memref<10240x64xf32, #tpu.memory_space<vmem_shared>>)
        %dma_start3A_200 = arith.constant 0 : i32
        %dma_start3A_201 = tpu.memref_slice %arg6[%add3A_169, %dma_start3A_200] : memref<160x128xi32, #tpu.memory_space<vmem>> -> memref<1x128xi32, #tpu.memory_space<vmem>>
        %dma_start3A_202 = tpu.memref_squeeze %dma_start3A_201 : memref<1x128xi32, #tpu.memory_space<vmem>> -> memref<128xi32, #tpu.memory_space<vmem>>
        %dma_start3A_203 = arith.constant 0 : i32
        %dma_start3A_204 = arith.constant 0 : i32
        %dma_start3A_205 = tpu.memref_slice %arg2[%arg0, %dma_start3A_203, %dma_start3A_204] : memref<2x10240x64xf32, #tpu.memory_space<hbm>> -> memref<1x10240x64xf32, #tpu.memory_space<hbm>>
        %dma_start3A_206 = tpu.memref_squeeze %dma_start3A_205 : memref<1x10240x64xf32, #tpu.memory_space<hbm>> -> memref<10240x64xf32, #tpu.memory_space<hbm>>
        %dma_start3A_207 = arith.constant 0 : i32
        %dma_start3A_208 = arith.constant 0 : i32
        %dma_start3A_209 = tpu.memref_slice %dma_start3A_206[%dma_start3A_207, %dma_start3A_208] : memref<10240x64xf32, #tpu.memory_space<hbm>> -> memref<10240x64xf32, #tpu.memory_space<hbm>>
        tpu.enqueue_indirect_dma source(%dma_start3A_209 : memref<10240x64xf32, #tpu.memory_space<hbm>>) target(%arg9 : memref<128x64xf32, #tpu.memory_space<vmem>>) offsets(%dma_start3A_202 : memref<128xi32, #tpu.memory_space<vmem>>) semaphore(%arg14 : memref<!tpu.dma_semaphore, #tpu.memory_space<semaphore_mem>>)
      } else {
      }
      %add3A_175 = arith.constant 2 : i32
      %add3A_176 = arith.addi %add3A_87, %add3A_175 : i32
      %add3A_177 = arith.constant 4 : i32
      %add3A_178 = arith.addi %add3A_176, %add3A_177 : i32
      %lt3A_179 = arith.constant 160 : i32
      %lt3A_180 = arith.cmpi slt, %add3A_178, %lt3A_179 : i32
      %convert_element_type3A_181 = arith.extui %lt3A_180 : i1 to i32
      %cond3A_182 = arith.constant 0 : i32
      %cond3A_183 = arith.cmpi ne, %convert_element_type3A_181, %cond3A_182 : i32
      scf.if %cond3A_183 {
        %dma_wait3A_193 = arith.constant 0 : i32
        %dma_wait3A_194 = arith.constant 0 : i32
        %dma_wait3A_195 = tpu.memref_slice %arg7[%dma_wait3A_193, %dma_wait3A_194] : memref<160x128xi32, #tpu.memory_space<vmem>> -> memref<1x128xi32, #tpu.memory_space<vmem>>
        %dma_wait3A_196 = tpu.memref_squeeze %dma_wait3A_195 : memref<1x128xi32, #tpu.memory_space<vmem>> -> memref<128xi32, #tpu.memory_space<vmem>>
        %dma_wait3A_197 = arith.constant 0 : i32
        %dma_wait3A_198 = arith.constant 0 : i32
        %dma_wait3A_199 = tpu.memref_slice %arg12[%dma_wait3A_197, %dma_wait3A_198] : memref<10240x64xf32, #tpu.memory_space<vmem_shared>> -> memref<10240x64xf32, #tpu.memory_space<vmem_shared>>
        tpu.wait_indirect_dma semaphore(%arg19 : memref<!tpu.dma_semaphore, #tpu.memory_space<semaphore_mem>>) src(%arg10 : memref<128x64xf32, #tpu.memory_space<vmem>>) dst(%dma_wait3A_199 : memref<10240x64xf32, #tpu.memory_space<vmem_shared>>)
        %dma_start3A_200 = arith.constant 0 : i32
        %dma_start3A_201 = tpu.memref_slice %arg6[%add3A_178, %dma_start3A_200] : memref<160x128xi32, #tpu.memory_space<vmem>> -> memref<1x128xi32, #tpu.memory_space<vmem>>
        %dma_start3A_202 = tpu.memref_squeeze %dma_start3A_201 : memref<1x128xi32, #tpu.memory_space<vmem>> -> memref<128xi32, #tpu.memory_space<vmem>>
        %dma_start3A_203 = arith.constant 0 : i32
        %dma_start3A_204 = arith.constant 0 : i32
        %dma_start3A_205 = tpu.memref_slice %arg2[%arg0, %dma_start3A_203, %dma_start3A_204] : memref<2x10240x64xf32, #tpu.memory_space<hbm>> -> memref<1x10240x64xf32, #tpu.memory_space<hbm>>
        %dma_start3A_206 = tpu.memref_squeeze %dma_start3A_205 : memref<1x10240x64xf32, #tpu.memory_space<hbm>> -> memref<10240x64xf32, #tpu.memory_space<hbm>>
        %dma_start3A_207 = arith.constant 0 : i32
        %dma_start3A_208 = arith.constant 0 : i32
        %dma_start3A_209 = tpu.memref_slice %dma_start3A_206[%dma_start3A_207, %dma_start3A_208] : memref<10240x64xf32, #tpu.memory_space<hbm>> -> memref<10240x64xf32, #tpu.memory_space<hbm>>
        tpu.enqueue_indirect_dma source(%dma_start3A_209 : memref<10240x64xf32, #tpu.memory_space<hbm>>) target(%arg10 : memref<128x64xf32, #tpu.memory_space<vmem>>) offsets(%dma_start3A_202 : memref<128xi32, #tpu.memory_space<vmem>>) semaphore(%arg15 : memref<!tpu.dma_semaphore, #tpu.memory_space<semaphore_mem>>)
      } else {
      }
      %add3A_184 = arith.constant 3 : i32
      %add3A_185 = arith.addi %add3A_87, %add3A_184 : i32
      %add3A_186 = arith.constant 4 : i32
      %add3A_187 = arith.addi %add3A_185, %add3A_186 : i32
      %lt3A_188 = arith.constant 160 : i32
      %lt3A_189 = arith.cmpi slt, %add3A_187, %lt3A_188 : i32
      %convert_element_type3A_190 = arith.extui %lt3A_189 : i1 to i32
      %cond3A_191 = arith.constant 0 : i32
      %cond3A_192 = arith.cmpi ne, %convert_element_type3A_190, %cond3A_191 : i32
      scf.if %cond3A_192 {
        %dma_wait3A_193 = arith.constant 0 : i32
        %dma_wait3A_194 = arith.constant 0 : i32
        %dma_wait3A_195 = tpu.memref_slice %arg7[%dma_wait3A_193, %dma_wait3A_194] : memref<160x128xi32, #tpu.memory_space<vmem>> -> memref<1x128xi32, #tpu.memory_space<vmem>>
        %dma_wait3A_196 = tpu.memref_squeeze %dma_wait3A_195 : memref<1x128xi32, #tpu.memory_space<vmem>> -> memref<128xi32, #tpu.memory_space<vmem>>
        %dma_wait3A_197 = arith.constant 0 : i32
        %dma_wait3A_198 = arith.constant 0 : i32
        %dma_wait3A_199 = tpu.memref_slice %arg12[%dma_wait3A_197, %dma_wait3A_198] : memref<10240x64xf32, #tpu.memory_space<vmem_shared>> -> memref<10240x64xf32, #tpu.memory_space<vmem_shared>>
        tpu.wait_indirect_dma semaphore(%arg20 : memref<!tpu.dma_semaphore, #tpu.memory_space<semaphore_mem>>) src(%arg11 : memref<128x64xf32, #tpu.memory_space<vmem>>) dst(%dma_wait3A_199 : memref<10240x64xf32, #tpu.memory_space<vmem_shared>>)
        %dma_start3A_200 = arith.constant 0 : i32
        %dma_start3A_201 = tpu.memref_slice %arg6[%add3A_187, %dma_start3A_200] : memref<160x128xi32, #tpu.memory_space<vmem>> -> memref<1x128xi32, #tpu.memory_space<vmem>>
        %dma_start3A_202 = tpu.memref_squeeze %dma_start3A_201 : memref<1x128xi32, #tpu.memory_space<vmem>> -> memref<128xi32, #tpu.memory_space<vmem>>
        %dma_start3A_203 = arith.constant 0 : i32
        %dma_start3A_204 = arith.constant 0 : i32
        %dma_start3A_205 = tpu.memref_slice %arg2[%arg0, %dma_start3A_203, %dma_start3A_204] : memref<2x10240x64xf32, #tpu.memory_space<hbm>> -> memref<1x10240x64xf32, #tpu.memory_space<hbm>>
        %dma_start3A_206 = tpu.memref_squeeze %dma_start3A_205 : memref<1x10240x64xf32, #tpu.memory_space<hbm>> -> memref<10240x64xf32, #tpu.memory_space<hbm>>
        %dma_start3A_207 = arith.constant 0 : i32
        %dma_start3A_208 = arith.constant 0 : i32
        %dma_start3A_209 = tpu.memref_slice %dma_start3A_206[%dma_start3A_207, %dma_start3A_208] : memref<10240x64xf32, #tpu.memory_space<hbm>> -> memref<10240x64xf32, #tpu.memory_space<hbm>>
        tpu.enqueue_indirect_dma source(%dma_start3A_209 : memref<10240x64xf32, #tpu.memory_space<hbm>>) target(%arg11 : memref<128x64xf32, #tpu.memory_space<vmem>>) offsets(%dma_start3A_202 : memref<128xi32, #tpu.memory_space<vmem>>) semaphore(%arg16 : memref<!tpu.dma_semaphore, #tpu.memory_space<semaphore_mem>>)
      } else {
      }
    }
    %scan3A_55 = arith.constant 40 : i32
    %dma_wait3A = arith.constant 0 : i32
    %dma_wait3A_56 = arith.constant 0 : i32
    %dma_wait3A_57 = tpu.memref_slice %arg7[%dma_wait3A, %dma_wait3A_56] : memref<160x128xi32, #tpu.memory_space<vmem>> -> memref<1x128xi32, #tpu.memory_space<vmem>>
    %dma_wait3A_58 = tpu.memref_squeeze %dma_wait3A_57 : memref<1x128xi32, #tpu.memory_space<vmem>> -> memref<128xi32, #tpu.memory_space<vmem>>
    %dma_wait3A_59 = arith.constant 0 : i32
    %dma_wait3A_60 = arith.constant 0 : i32
    %dma_wait3A_61 = tpu.memref_slice %arg12[%dma_wait3A_59, %dma_wait3A_60] : memref<10240x64xf32, #tpu.memory_space<vmem_shared>> -> memref<10240x64xf32, #tpu.memory_space<vmem_shared>>
    tpu.wait_indirect_dma semaphore(%arg17 : memref<!tpu.dma_semaphore, #tpu.memory_space<semaphore_mem>>) src(%arg8 : memref<128x64xf32, #tpu.memory_space<vmem>>) dst(%dma_wait3A_61 : memref<10240x64xf32, #tpu.memory_space<vmem_shared>>)
    %dma_wait3A_62 = arith.constant 0 : i32
    %dma_wait3A_63 = arith.constant 0 : i32
    %dma_wait3A_64 = tpu.memref_slice %arg7[%dma_wait3A_62, %dma_wait3A_63] : memref<160x128xi32, #tpu.memory_space<vmem>> -> memref<1x128xi32, #tpu.memory_space<vmem>>
    %dma_wait3A_65 = tpu.memref_squeeze %dma_wait3A_64 : memref<1x128xi32, #tpu.memory_space<vmem>> -> memref<128xi32, #tpu.memory_space<vmem>>
    %dma_wait3A_66 = arith.constant 0 : i32
    %dma_wait3A_67 = arith.constant 0 : i32
    %dma_wait3A_68 = tpu.memref_slice %arg12[%dma_wait3A_66, %dma_wait3A_67] : memref<10240x64xf32, #tpu.memory_space<vmem_shared>> -> memref<10240x64xf32, #tpu.memory_space<vmem_shared>>
    tpu.wait_indirect_dma semaphore(%arg18 : memref<!tpu.dma_semaphore, #tpu.memory_space<semaphore_mem>>) src(%arg9 : memref<128x64xf32, #tpu.memory_space<vmem>>) dst(%dma_wait3A_68 : memref<10240x64xf32, #tpu.memory_space<vmem_shared>>)
    %dma_wait3A_69 = arith.constant 0 : i32
    %dma_wait3A_70 = arith.constant 0 : i32
    %dma_wait3A_71 = tpu.memref_slice %arg7[%dma_wait3A_69, %dma_wait3A_70] : memref<160x128xi32, #tpu.memory_space<vmem>> -> memref<1x128xi32, #tpu.memory_space<vmem>>
    %dma_wait3A_72 = tpu.memref_squeeze %dma_wait3A_71 : memref<1x128xi32, #tpu.memory_space<vmem>> -> memref<128xi32, #tpu.memory_space<vmem>>
    %dma_wait3A_73 = arith.constant 0 : i32
    %dma_wait3A_74 = arith.constant 0 : i32
    %dma_wait3A_75 = tpu.memref_slice %arg12[%dma_wait3A_73, %dma_wait3A_74] : memref<10240x64xf32, #tpu.memory_space<vmem_shared>> -> memref<10240x64xf32, #tpu.memory_space<vmem_shared>>
    tpu.wait_indirect_dma semaphore(%arg19 : memref<!tpu.dma_semaphore, #tpu.memory_space<semaphore_mem>>) src(%arg10 : memref<128x64xf32, #tpu.memory_space<vmem>>) dst(%dma_wait3A_75 : memref<10240x64xf32, #tpu.memory_space<vmem_shared>>)
    %dma_wait3A_76 = arith.constant 0 : i32
    %dma_wait3A_77 = arith.constant 0 : i32
    %dma_wait3A_78 = tpu.memref_slice %arg7[%dma_wait3A_76, %dma_wait3A_77] : memref<160x128xi32, #tpu.memory_space<vmem>> -> memref<1x128xi32, #tpu.memory_space<vmem>>
    %dma_wait3A_79 = tpu.memref_squeeze %dma_wait3A_78 : memref<1x128xi32, #tpu.memory_space<vmem>> -> memref<128xi32, #tpu.memory_space<vmem>>
    %dma_wait3A_80 = arith.constant 0 : i32
    %dma_wait3A_81 = arith.constant 0 : i32
    %dma_wait3A_82 = tpu.memref_slice %arg12[%dma_wait3A_80, %dma_wait3A_81] : memref<10240x64xf32, #tpu.memory_space<vmem_shared>> -> memref<10240x64xf32, #tpu.memory_space<vmem_shared>>
    tpu.wait_indirect_dma semaphore(%arg20 : memref<!tpu.dma_semaphore, #tpu.memory_space<semaphore_mem>>) src(%arg11 : memref<128x64xf32, #tpu.memory_space<vmem>>) dst(%dma_wait3A_82 : memref<10240x64xf32, #tpu.memory_space<vmem_shared>>)
    %barrier3A_83 = arith.constant 0 : index
    tpu.barrier barrier_id(%barrier3A_83)
    "tpu.region"() ({
      %run_scoped3A = tpu.sem_alloc : memref<!tpu.dma_semaphore, #tpu.memory_space<semaphore_mem>>
      %dma_start3A_84 = arith.constant 0 : i32
      %dma_start3A_85 = arith.constant 0 : i32
      %dma_start3A_86 = tpu.memref_slice %arg5[%arg0, %dma_start3A_84, %dma_start3A_85] : memref<2x10240x64xf32, #tpu.memory_space<hbm>> -> memref<1x10240x64xf32, #tpu.memory_space<hbm>>
      %dma_start3A_87 = tpu.memref_squeeze %dma_start3A_86 : memref<1x10240x64xf32, #tpu.memory_space<hbm>> -> memref<10240x64xf32, #tpu.memory_space<hbm>>
      %dma_start3A_88 = arith.constant 0 : i32
      %dma_start3A_89 = tpu.memref_slice %dma_start3A_87[%mul3A_0, %dma_start3A_88] : memref<10240x64xf32, #tpu.memory_space<hbm>> -> memref<640x64xf32, #tpu.memory_space<hbm>>
      %dma_start3A_90 = arith.constant 0 : i32
      %dma_start3A_91 = tpu.memref_slice %arg12[%mul3A_0, %dma_start3A_90] : memref<10240x64xf32, #tpu.memory_space<vmem_shared>> -> memref<640x64xf32, #tpu.memory_space<vmem_shared>>
      tpu.enqueue_dma source(%dma_start3A_91 : memref<640x64xf32, #tpu.memory_space<vmem_shared>>) target(%dma_start3A_89 : memref<640x64xf32, #tpu.memory_space<hbm>>) target_semaphore(%run_scoped3A : memref<!tpu.dma_semaphore, #tpu.memory_space<semaphore_mem>>)
      %dma_wait3A_92 = arith.constant 0 : i32
      %dma_wait3A_93 = arith.constant 0 : i32
      %dma_wait3A_94 = tpu.memref_slice %arg5[%arg0, %dma_wait3A_92, %dma_wait3A_93] : memref<2x10240x64xf32, #tpu.memory_space<hbm>> -> memref<1x10240x64xf32, #tpu.memory_space<hbm>>
      %dma_wait3A_95 = tpu.memref_squeeze %dma_wait3A_94 : memref<1x10240x64xf32, #tpu.memory_space<hbm>> -> memref<10240x64xf32, #tpu.memory_space<hbm>>
      %dma_wait3A_96 = arith.constant 0 : i32
      %dma_wait3A_97 = tpu.memref_slice %dma_wait3A_95[%mul3A_0, %dma_wait3A_96] : memref<10240x64xf32, #tpu.memory_space<hbm>> -> memref<640x64xf32, #tpu.memory_space<hbm>>
      %dma_wait3A_98 = arith.constant 0 : i32
      %dma_wait3A_99 = tpu.memref_slice %arg12[%mul3A_0, %dma_wait3A_98] : memref<10240x64xf32, #tpu.memory_space<vmem_shared>> -> memref<640x64xf32, #tpu.memory_space<vmem_shared>>
      tpu.wait_dma2 semaphore(%run_scoped3A : memref<!tpu.dma_semaphore, #tpu.memory_space<semaphore_mem>>) src(%dma_wait3A_99 : memref<640x64xf32, #tpu.memory_space<vmem_shared>>) dst(%dma_wait3A_97 : memref<640x64xf32, #tpu.memory_space<hbm>>)
      tpu.yield
    }) : () -> ()
    return
  }
}

module attributes {stable_mosaic.version = 14 : i64} {
  func.func @_mm_scale_body(%arg0: i32, %arg1: memref<2048x128xf32, #tpu.memory_space<vmem>>, %arg2: memref<128x128xf32, #tpu.memory_space<vmem>>, %arg3: memref<2x2048x16xf32, #tpu.memory_space<vmem>>, %arg4: memref<2x1024x128xf32, #tpu.memory_space<vmem>>, %arg5: memref<2048x1xf32, #tpu.memory_space<vmem>>) attributes {dimension_semantics = [#tpu.dimension_semantics<arbitrary>], iteration_bounds = array<i64: 5>, scalar_prefetch = 0 : i64, scratch_operands = 0 : i64, tpu.core_type = #tpu.core_type<tc>, window_params = [{transform_indices = @transform_0, window_bounds = array<i64: 2048, 128>}, {pipeline_mode = #tpu.pipeline_mode<synchronous>, transform_indices = @transform_1, window_bounds = array<i64: 128, 128>}, {transform_indices = @transform_2, window_bounds = array<i64: 2, 2048, 16>}, {transform_indices = @transform_3, window_bounds = array<i64: 2, 1024, 128>}, {transform_indices = @transform_4, window_bounds = array<i64: 2048, 1>}]} {
    %get3A = arith.constant 0 : index
    %get3A_0 = arith.constant 0 : index
    %get3A_1 = arith.constant 0 : index
    %get3A_2 = vector.load %arg3[%get3A, %get3A_0, %get3A_1] : memref<2x2048x16xf32, #tpu.memory_space<vmem>>, vector<1x2048x1xf32>
    %get3A_3 = vector.shape_cast %get3A_2 : vector<1x2048x1xf32> to vector<2048x1xf32>
    %get3A_4 = arith.constant 1 : index
    %get3A_5 = arith.constant 0 : index
    %get3A_6 = arith.constant 0 : index
    %get3A_7 = vector.load %arg3[%get3A_4, %get3A_5, %get3A_6] : memref<2x2048x16xf32, #tpu.memory_space<vmem>>, vector<1x2048x1xf32>
    %get3A_8 = vector.shape_cast %get3A_7 : vector<1x2048x1xf32> to vector<2048x1xf32>
    %add3A = arith.addf %get3A_3, %get3A_8 : vector<2048x1xf32>
    %add3A_9 = arith.constant 1.000000e+00 : f32
    %add3A_10 = vector.broadcast %add3A_9 : f32 to vector<2048x1xf32>
    %add3A_11 = arith.addf %add3A, %add3A_10 : vector<2048x1xf32>
    %rsqrt3A = math.rsqrt %add3A_11 : vector<2048x1xf32>
    %swap3A = arith.constant 0 : index
    %swap3A_12 = arith.constant 0 : index
    %swap3A_13 = vector.load %arg5[%swap3A, %swap3A_12] : memref<2048x1xf32, #tpu.memory_space<vmem>>, vector<2048x1xf32>
    tpu.vector_store %arg5[%swap3A, %swap3A_12], %rsqrt3A {strides = array<i32>} : memref<2048x1xf32, #tpu.memory_space<vmem>>, vector<2048x1xf32>,
    %get3A_14 = arith.constant 0 : index
    %get3A_15 = arith.constant 0 : index
    %get3A_16 = vector.load %arg1[%get3A_14, %get3A_15] : memref<2048x128xf32, #tpu.memory_space<vmem>>, vector<2048x128xf32>
    %get3A_17 = arith.constant 0 : index
    %get3A_18 = arith.constant 0 : index
    %get3A_19 = vector.load %arg2[%get3A_17, %get3A_18] : memref<128x128xf32, #tpu.memory_space<vmem>>, vector<128x128xf32>
    %dot_general3A = arith.constant dense<0.000000e+00> : vector<2048x128xf32>
    %dot_general3A_20 = tpu.matmul %get3A_16, %get3A_19, %dot_general3A {dimension_numbers = #tpu.dot_dimension_numbers<[1], [0], [0], [1], [0, 0, 1, 1], [], []>, transpose_lhs_hint = false} : vector<2048x128xf32>, vector<128x128xf32>, vector<2048x128xf32> -> vector<2048x128xf32>
    %mul3A = vector.broadcast %rsqrt3A : vector<2048x1xf32> to vector<2048x128xf32>
    %mul3A_21 = arith.mulf %dot_general3A_20, %mul3A : vector<2048x128xf32>
    %slice3A = vector.extract_strided_slice %mul3A_21 {offsets = [0, 0], sizes = [1024, 64], strides = [1, 1]} : vector<2048x128xf32> to vector<1024x64xf32>
    %slice3A_22 = vector.extract_strided_slice %mul3A_21 {offsets = [1024, 0], sizes = [1024, 64], strides = [1, 1]} : vector<2048x128xf32> to vector<1024x64xf32>
    %concatenate3A = tpu.concatenate %slice3A, %slice3A_22 in 1 : vector<1024x64xf32>, vector<1024x64xf32> -> vector<1024x128xf32>
    %slice3A_23 = vector.extract_strided_slice %mul3A_21 {offsets = [0, 64], sizes = [1024, 64], strides = [1, 1]} : vector<2048x128xf32> to vector<1024x64xf32>
    %slice3A_24 = vector.extract_strided_slice %mul3A_21 {offsets = [1024, 64], sizes = [1024, 64], strides = [1, 1]} : vector<2048x128xf32> to vector<1024x64xf32>
    %concatenate3A_25 = tpu.concatenate %slice3A_23, %slice3A_24 in 1 : vector<1024x64xf32>, vector<1024x64xf32> -> vector<1024x128xf32>
    %stack3A = vector.shape_cast %concatenate3A : vector<1024x128xf32> to vector<1x1024x128xf32>
    %stack3A_26 = vector.shape_cast %concatenate3A_25 : vector<1024x128xf32> to vector<1x1024x128xf32>
    %stack3A_27 = tpu.concatenate %stack3A, %stack3A_26 in 0 : vector<1x1024x128xf32>, vector<1x1024x128xf32> -> vector<2x1024x128xf32>
    %swap3A_28 = arith.constant 0 : index
    %swap3A_29 = arith.constant 0 : index
    %swap3A_30 = arith.constant 0 : index
    %swap3A_31 = vector.load %arg4[%swap3A_28, %swap3A_29, %swap3A_30] : memref<2x1024x128xf32, #tpu.memory_space<vmem>>, vector<2x1024x128xf32>
    tpu.vector_store %arg4[%swap3A_28, %swap3A_29, %swap3A_30], %stack3A_27 {strides = array<i32>} : memref<2x1024x128xf32, #tpu.memory_space<vmem>>, vector<2x1024x128xf32>,
    return
  }
  func.func @transform_0(%arg0: i32) -> (i32, i32) {
    %c0_i32 = arith.constant 0 : i32
    %c0_i32_0 = arith.constant 0 : i32
    return %arg0, %c0_i32 : i32, i32
  }
  func.func @transform_1(%arg0: i32) -> (i32, i32) {
    %c0_i32 = arith.constant 0 : i32
    %c0_i32_0 = arith.constant 0 : i32
    %c0_i32_1 = arith.constant 0 : i32
    return %c0_i32, %c0_i32_0 : i32, i32
  }
  func.func @transform_2(%arg0: i32) -> (i32, i32, i32) {
    %c0_i32 = arith.constant 0 : i32
    %c0_i32_0 = arith.constant 0 : i32
    %c0_i32_1 = arith.constant 0 : i32
    return %c0_i32, %arg0, %c0_i32_0 : i32, i32, i32
  }
  func.func @transform_3(%arg0: i32) -> (i32, i32, i32) {
    %c0_i32 = arith.constant 0 : i32
    %c0_i32_0 = arith.constant 0 : i32
    %c0_i32_1 = arith.constant 0 : i32
    return %c0_i32, %arg0, %c0_i32_0 : i32, i32, i32
  }
  func.func @transform_4(%arg0: i32) -> (i32, i32) {
    %c0_i32 = arith.constant 0 : i32
    %c0_i32_0 = arith.constant 0 : i32
    return %arg0, %c0_i32 : i32, i32
  }
}

module attributes {stable_mosaic.version = 14 : i64} {
  func.func @_mid_body(%arg0: i32, %arg1: memref<2x1024x128xf32, #tpu.memory_space<vmem>>, %arg2: memref<2048x1xf32, #tpu.memory_space<vmem>>, %arg3: memref<1x128xf32, #tpu.memory_space<vmem>>, %arg4: memref<128x128xf32, #tpu.memory_space<vmem>>, %arg5: memref<2x1024x128xf32, #tpu.memory_space<vmem>>) attributes {dimension_semantics = [#tpu.dimension_semantics<arbitrary>], iteration_bounds = array<i64: 5>, scalar_prefetch = 0 : i64, scratch_operands = 0 : i64, tpu.core_type = #tpu.core_type<tc>, window_params = [{transform_indices = @transform_0, window_bounds = array<i64: 2, 1024, 128>}, {transform_indices = @transform_1, window_bounds = array<i64: 2048, 1>}, {pipeline_mode = #tpu.pipeline_mode<synchronous>, transform_indices = @transform_2, window_bounds = array<i64: 1, 128>}, {pipeline_mode = #tpu.pipeline_mode<synchronous>, transform_indices = @transform_3, window_bounds = array<i64: 128, 128>}, {transform_indices = @transform_4, window_bounds = array<i64: 2, 1024, 128>}]} {
    %get3A = arith.constant 0 : index
    %get3A_0 = arith.constant 0 : index
    %get3A_1 = vector.load %arg2[%get3A, %get3A_0] : memref<2048x1xf32, #tpu.memory_space<vmem>>, vector<2048x1xf32>
    %get3A_2 = arith.constant 0 : index
    %get3A_3 = arith.constant 0 : index
    %get3A_4 = arith.constant 0 : index
    %get3A_5 = vector.load %arg1[%get3A_2, %get3A_3, %get3A_4] : memref<2x1024x128xf32, #tpu.memory_space<vmem>>, vector<1x1024x128xf32>
    %get3A_6 = vector.shape_cast %get3A_5 : vector<1x1024x128xf32> to vector<1024x128xf32>
    %get3A_7 = arith.constant 1 : index
    %get3A_8 = arith.constant 0 : index
    %get3A_9 = arith.constant 0 : index
    %get3A_10 = vector.load %arg1[%get3A_7, %get3A_8, %get3A_9] : memref<2x1024x128xf32, #tpu.memory_space<vmem>>, vector<1x1024x128xf32>
    %get3A_11 = vector.shape_cast %get3A_10 : vector<1x1024x128xf32> to vector<1024x128xf32>
    %slice3A = vector.extract_strided_slice %get3A_6 {offsets = [0, 0], sizes = [1024, 64], strides = [1, 1]} : vector<1024x128xf32> to vector<1024x64xf32>
    %slice3A_12 = vector.extract_strided_slice %get3A_11 {offsets = [0, 0], sizes = [1024, 64], strides = [1, 1]} : vector<1024x128xf32> to vector<1024x64xf32>
    %concatenate3A = tpu.concatenate %slice3A, %slice3A_12 in 1 : vector<1024x64xf32>, vector<1024x64xf32> -> vector<1024x128xf32>
    %slice3A_13 = vector.extract_strided_slice %get3A_6 {offsets = [0, 64], sizes = [1024, 64], strides = [1, 1]} : vector<1024x128xf32> to vector<1024x64xf32>
    %slice3A_14 = vector.extract_strided_slice %get3A_11 {offsets = [0, 64], sizes = [1024, 64], strides = [1, 1]} : vector<1024x128xf32> to vector<1024x64xf32>
    %concatenate3A_15 = tpu.concatenate %slice3A_13, %slice3A_14 in 1 : vector<1024x64xf32>, vector<1024x64xf32> -> vector<1024x128xf32>
    %concatenate3A_16 = tpu.concatenate %concatenate3A, %concatenate3A_15 in 0 : vector<1024x128xf32>, vector<1024x128xf32> -> vector<2048x128xf32>
    %mul3A = vector.broadcast %get3A_1 : vector<2048x1xf32> to vector<2048x128xf32>
    %mul3A_17 = arith.mulf %concatenate3A_16, %mul3A : vector<2048x128xf32>
    %get3A_18 = arith.constant 0 : index
    %get3A_19 = arith.constant 0 : index
    %get3A_20 = vector.load %arg3[%get3A_18, %get3A_19] : memref<1x128xf32, #tpu.memory_space<vmem>>, vector<1x128xf32>
    %add3A = vector.broadcast %get3A_20 : vector<1x128xf32> to vector<2048x128xf32>
    %add3A_21 = arith.addf %mul3A_17, %add3A : vector<2048x128xf32>
    %max3A = arith.constant 0.000000e+00 : f32
    %max3A_22 = vector.broadcast %max3A : f32 to vector<2048x128xf32>
    %max3A_23 = arith.maximumf %add3A_21, %max3A_22 : vector<2048x128xf32>
    %get3A_24 = arith.constant 0 : index
    %get3A_25 = arith.constant 0 : index
    %get3A_26 = vector.load %arg4[%get3A_24, %get3A_25] : memref<128x128xf32, #tpu.memory_space<vmem>>, vector<128x128xf32>
    %dot_general3A = arith.constant dense<0.000000e+00> : vector<2048x128xf32>
    %dot_general3A_27 = tpu.matmul %max3A_23, %get3A_26, %dot_general3A {dimension_numbers = #tpu.dot_dimension_numbers<[1], [0], [0], [1], [0, 0, 1, 1], [], []>, transpose_lhs_hint = false} : vector<2048x128xf32>, vector<128x128xf32>, vector<2048x128xf32> -> vector<2048x128xf32>
    %mul3A_28 = vector.broadcast %get3A_1 : vector<2048x1xf32> to vector<2048x128xf32>
    %mul3A_29 = arith.mulf %dot_general3A_27, %mul3A_28 : vector<2048x128xf32>
    %slice3A_30 = vector.extract_strided_slice %mul3A_29 {offsets = [0, 0], sizes = [1024, 64], strides = [1, 1]} : vector<2048x128xf32> to vector<1024x64xf32>
    %slice3A_31 = vector.extract_strided_slice %mul3A_29 {offsets = [1024, 0], sizes = [1024, 64], strides = [1, 1]} : vector<2048x128xf32> to vector<1024x64xf32>
    %concatenate3A_32 = tpu.concatenate %slice3A_30, %slice3A_31 in 1 : vector<1024x64xf32>, vector<1024x64xf32> -> vector<1024x128xf32>
    %slice3A_33 = vector.extract_strided_slice %mul3A_29 {offsets = [0, 64], sizes = [1024, 64], strides = [1, 1]} : vector<2048x128xf32> to vector<1024x64xf32>
    %slice3A_34 = vector.extract_strided_slice %mul3A_29 {offsets = [1024, 64], sizes = [1024, 64], strides = [1, 1]} : vector<2048x128xf32> to vector<1024x64xf32>
    %concatenate3A_35 = tpu.concatenate %slice3A_33, %slice3A_34 in 1 : vector<1024x64xf32>, vector<1024x64xf32> -> vector<1024x128xf32>
    %stack3A = vector.shape_cast %concatenate3A_32 : vector<1024x128xf32> to vector<1x1024x128xf32>
    %stack3A_36 = vector.shape_cast %concatenate3A_35 : vector<1024x128xf32> to vector<1x1024x128xf32>
    %stack3A_37 = tpu.concatenate %stack3A, %stack3A_36 in 0 : vector<1x1024x128xf32>, vector<1x1024x128xf32> -> vector<2x1024x128xf32>
    %swap3A = arith.constant 0 : index
    %swap3A_38 = arith.constant 0 : index
    %swap3A_39 = arith.constant 0 : index
    %swap3A_40 = vector.load %arg5[%swap3A, %swap3A_38, %swap3A_39] : memref<2x1024x128xf32, #tpu.memory_space<vmem>>, vector<2x1024x128xf32>
    tpu.vector_store %arg5[%swap3A, %swap3A_38, %swap3A_39], %stack3A_37 {strides = array<i32>} : memref<2x1024x128xf32, #tpu.memory_space<vmem>>, vector<2x1024x128xf32>,
    return
  }
  func.func @transform_0(%arg0: i32) -> (i32, i32, i32) {
    %c0_i32 = arith.constant 0 : i32
    %c0_i32_0 = arith.constant 0 : i32
    %c0_i32_1 = arith.constant 0 : i32
    return %c0_i32, %arg0, %c0_i32_0 : i32, i32, i32
  }
  func.func @transform_1(%arg0: i32) -> (i32, i32) {
    %c0_i32 = arith.constant 0 : i32
    %c0_i32_0 = arith.constant 0 : i32
    return %arg0, %c0_i32 : i32, i32
  }
  func.func @transform_2(%arg0: i32) -> (i32, i32) {
    %c0_i32 = arith.constant 0 : i32
    %c0_i32_0 = arith.constant 0 : i32
    %c0_i32_1 = arith.constant 0 : i32
    return %c0_i32, %c0_i32_0 : i32, i32
  }
  func.func @transform_3(%arg0: i32) -> (i32, i32) {
    %c0_i32 = arith.constant 0 : i32
    %c0_i32_0 = arith.constant 0 : i32
    %c0_i32_1 = arith.constant 0 : i32
    return %c0_i32, %c0_i32_0 : i32, i32
  }
  func.func @transform_4(%arg0: i32) -> (i32, i32, i32) {
    %c0_i32 = arith.constant 0 : i32
    %c0_i32_0 = arith.constant 0 : i32
    %c0_i32_1 = arith.constant 0 : i32
    return %c0_i32, %arg0, %c0_i32_0 : i32, i32, i32
  }
}

module attributes {stable_mosaic.version = 14 : i64} {
  func.func @_final_body(%arg0: i32, %arg1: memref<2x1024x128xf32, #tpu.memory_space<vmem>>, %arg2: memref<2048x1xf32, #tpu.memory_space<vmem>>, %arg3: memref<1x128xf32, #tpu.memory_space<vmem>>, %arg4: memref<2048x128xf32, #tpu.memory_space<vmem>>) attributes {dimension_semantics = [#tpu.dimension_semantics<arbitrary>], iteration_bounds = array<i64: 5>, scalar_prefetch = 0 : i64, scratch_operands = 0 : i64, tpu.core_type = #tpu.core_type<tc>, window_params = [{transform_indices = @transform_0, window_bounds = array<i64: 2, 1024, 128>}, {transform_indices = @transform_1, window_bounds = array<i64: 2048, 1>}, {pipeline_mode = #tpu.pipeline_mode<synchronous>, transform_indices = @transform_2, window_bounds = array<i64: 1, 128>}, {transform_indices = @transform_3, window_bounds = array<i64: 2048, 128>}]} {
    %get3A = arith.constant 0 : index
    %get3A_0 = arith.constant 0 : index
    %get3A_1 = arith.constant 0 : index
    %get3A_2 = vector.load %arg1[%get3A, %get3A_0, %get3A_1] : memref<2x1024x128xf32, #tpu.memory_space<vmem>>, vector<1x1024x128xf32>
    %get3A_3 = vector.shape_cast %get3A_2 : vector<1x1024x128xf32> to vector<1024x128xf32>
    %get3A_4 = arith.constant 1 : index
    %get3A_5 = arith.constant 0 : index
    %get3A_6 = arith.constant 0 : index
    %get3A_7 = vector.load %arg1[%get3A_4, %get3A_5, %get3A_6] : memref<2x1024x128xf32, #tpu.memory_space<vmem>>, vector<1x1024x128xf32>
    %get3A_8 = vector.shape_cast %get3A_7 : vector<1x1024x128xf32> to vector<1024x128xf32>
    %slice3A = vector.extract_strided_slice %get3A_3 {offsets = [0, 0], sizes = [1024, 64], strides = [1, 1]} : vector<1024x128xf32> to vector<1024x64xf32>
    %slice3A_9 = vector.extract_strided_slice %get3A_8 {offsets = [0, 0], sizes = [1024, 64], strides = [1, 1]} : vector<1024x128xf32> to vector<1024x64xf32>
    %concatenate3A = tpu.concatenate %slice3A, %slice3A_9 in 1 : vector<1024x64xf32>, vector<1024x64xf32> -> vector<1024x128xf32>
    %slice3A_10 = vector.extract_strided_slice %get3A_3 {offsets = [0, 64], sizes = [1024, 64], strides = [1, 1]} : vector<1024x128xf32> to vector<1024x64xf32>
    %slice3A_11 = vector.extract_strided_slice %get3A_8 {offsets = [0, 64], sizes = [1024, 64], strides = [1, 1]} : vector<1024x128xf32> to vector<1024x64xf32>
    %concatenate3A_12 = tpu.concatenate %slice3A_10, %slice3A_11 in 1 : vector<1024x64xf32>, vector<1024x64xf32> -> vector<1024x128xf32>
    %concatenate3A_13 = tpu.concatenate %concatenate3A, %concatenate3A_12 in 0 : vector<1024x128xf32>, vector<1024x128xf32> -> vector<2048x128xf32>
    %get3A_14 = arith.constant 0 : index
    %get3A_15 = arith.constant 0 : index
    %get3A_16 = vector.load %arg2[%get3A_14, %get3A_15] : memref<2048x1xf32, #tpu.memory_space<vmem>>, vector<2048x1xf32>
    %mul3A = vector.broadcast %get3A_16 : vector<2048x1xf32> to vector<2048x128xf32>
    %mul3A_17 = arith.mulf %concatenate3A_13, %mul3A : vector<2048x128xf32>
    %get3A_18 = arith.constant 0 : index
    %get3A_19 = arith.constant 0 : index
    %get3A_20 = vector.load %arg3[%get3A_18, %get3A_19] : memref<1x128xf32, #tpu.memory_space<vmem>>, vector<1x128xf32>
    %add3A = vector.broadcast %get3A_20 : vector<1x128xf32> to vector<2048x128xf32>
    %add3A_21 = arith.addf %mul3A_17, %add3A : vector<2048x128xf32>
    %swap3A = arith.constant 0 : index
    %swap3A_22 = arith.constant 0 : index
    %swap3A_23 = vector.load %arg4[%swap3A, %swap3A_22] : memref<2048x128xf32, #tpu.memory_space<vmem>>, vector<2048x128xf32>
    tpu.vector_store %arg4[%swap3A, %swap3A_22], %add3A_21 {strides = array<i32>} : memref<2048x128xf32, #tpu.memory_space<vmem>>, vector<2048x128xf32>,
    return
  }
  func.func @transform_0(%arg0: i32) -> (i32, i32, i32) {
    %c0_i32 = arith.constant 0 : i32
    %c0_i32_0 = arith.constant 0 : i32
    %c0_i32_1 = arith.constant 0 : i32
    return %c0_i32, %arg0, %c0_i32_0 : i32, i32, i32
  }
  func.func @transform_1(%arg0: i32) -> (i32, i32) {
    %c0_i32 = arith.constant 0 : i32
    %c0_i32_0 = arith.constant 0 : i32
    return %arg0, %c0_i32 : i32, i32
  }
  func.func @transform_2(%arg0: i32) -> (i32, i32) {
    %c0_i32 = arith.constant 0 : i32
    %c0_i32_0 = arith.constant 0 : i32
    %c0_i32_1 = arith.constant 0 : i32
    return %c0_i32, %c0_i32_0 : i32, i32
  }
  func.func @transform_3(%arg0: i32) -> (i32, i32) {
    %c0_i32 = arith.constant 0 : i32
    %c0_i32_0 = arith.constant 0 : i32
    return %arg0, %c0_i32 : i32, i32
  }
}

</mosaic_0001>

<sc_bundles>
// kernel: kernel.11.cloned.1.call-start
scs
__scs_entry_jumppad:
0x0: {  	(pc) =	sbr.rel $0x88, $3  }
0x1: {  	(tag) =	ssettag $0x0;
	lr =	simm.s32 $0x1  }
0x2: {  	[smem:$0x3F9B] =	sst lr;
	_ =	strace $0xD0000000  }
0x3: {  	_ = 	snop  }
0x4: {  	_ = 	snop  }
0x5: {  	_ = 	snop  }
0x6: {  	_ = 	snop  }
0x7: {  	_ = 	snop  }
__scs_overlays_trampoline_lowered:
0x8: {  	[smem:$0x3FAA] =	sst s0  }
0x9: {  	[smem:$0x3FAB] =	sst s1  }
0xa: {  	[smem:$0x3FAC] =	sst s2  }
0xb: {  	[smem:$0x3FAD] =	sst s3  }
0xc: {  	[smem:$0x3FAE] =	sst s4  }
0xd: {  	[smem:$0x3FAF] =	sst s5  }
0xe: {  	[smem:$0x3FB0] =	sst s6  }
0xf: {  	[smem:$0x3FB1] =	sst s7  }
0x10: {  	[smem:$0x3FB2] =	sst s8  }
0x11: {  	[smem:$0x3FB3] =	sst s9;
	s0 =	simm.s32 @!p0 $0x0  }
0x12: {  	s1 =	sld [smem:$0x3F99];
	s0 =	simm.s32 @p0 $0x1  }
0x13: {  	[smem:$0x3FB4] =	sst s0;
	s0 =	simm.s32 @!p1 $0x0  }
0x14: {  	s2 =	sld [smem:$0x3F98];
	s0 =	simm.s32 @p1 $0x1  }
0x15: {  	[smem:$0x3FB5] =	sst s0;
	s0 =	simm.s32 @!p2 $0x0  }
0x16: {  	s3 =	sld [smem:$0x3FDB];
	s0 =	simm.s32 @p2 $0x1  }
0x17: {  	s4 =	simm.s32 $0x1BF5;
	[smem:$0x3FB7] =	sst s0  }
0x18: {  	s0 =	sld [smem:$0x3F9A];
	_ =	swait.ge [sflag:s4], $0x0  }
0x19: {  	s7 =	sld [smem:$0x3F9B]  }
0x1a: {  	s8 =	sadd.s32 $0xFFFFE003, lr  }
0x1b: {  	s9 =	sadd.s32 $0xFFFFFEF7, lr;
	s5 =	simm.s32 $0xFFFFFFFF;
	p2 =	slt.u32 s8, $0xFFFFF086  }
0x1c: {  	p1 =	slt.u32 s9, $0xF7A;
	s5 =	simm.s32 @!p2 $0x0  }
0x1d: {  	s5 =	simm.s32 @p1 $0x1;
	p0 =	seq.s32 s7, s2  }
0x1e: {  	s7 =	smul.u32 @!p0 $0xF7A, s2;
	p2 =	seq.s32 @!p0 s5, $0x0  }
0x1f: {  	s9 =	smul.u32 $0xF7A, s1;
	s8 =	simm.s32 @!p0 $0x1BF5;
	p2 =	por !p2, p0  }
0x20: {  	[sflag:s8] =	ssyncset.s32 @!p0 $0xFFFFF086;
	s6 =	sadd.s32 @!p0 s3, s7;
	s7 =	simm.s32 @!p0 $0x108  }
0x21: {  	s3 =	sadd.s32 s3, s9;
	s6 =	sadd.s32 @!p0 $0x88, s6;
	s7 =	simm.s32 @p2 $0x1082  }
0x22: {  	[simem:s7], [sflag:s8] =	dma.local @!p0 [hbm:s6], $0xF7A  }
0x23: {  	s9 =	sor.u32 $0xD0000000, s2;
	s6 =	simm.s32 $0x108;
	_ =	swait.ge @!p0 [sflag:s8], $0x0  }
0x24: {  	s3 =	sadd.s32 $0x88, s3;
	s6 =	simm.s32 @!p1 $0x1082;
	[sflag:s4] =	ssyncset.s32 $0xFFFFF086  }
0x25: {  	[simem:s6], [sflag:s4] =	dma.local [hbm:s3], $0xF7A  }
0x26: {  	[smem:$0x3F9B] =	sst s1;
	(tag) =	ssettag s2;
	_ =	strace s9  }
0x27: {  	s1 =	sld [smem:$0x3FAB]  }
0x28: {  	s2 =	sld [smem:$0x3FAC]  }
0x29: {  	s4 =	sld [smem:$0x3FAE]  }
0x2a: {  	p0 =	seq.s32 s5, $0x0;
	s5 =	sld [smem:$0x3FAF]  }
0x2b: {  	s6 =	sld [smem:$0x3FB0]  }
0x2c: {  	s7 =	sld [smem:$0x3FB1]  }
0x2d: {  	s3 =	simm.s32 $0x108;
	s8 =	sld [smem:$0x3FB2]  }
0x2e: {  	s3 =	simm.s32 @!p0 $0x1082;
	s9 =	sld [smem:$0x3FB3]  }
0x2f: {  	lr =	sadd.s32 s0, s3;
	s0 =	sld [smem:$0x3FAA]  }
0x30: {  	s3 =	sld [smem:$0x3FAD]  }
0x31: {  	[smem:$0x3FB6] =	sst s10  }
0x32: {  	s10 =	sld [smem:$0x3FB4];
	_ =	sdelay $0x3  }
0x33: {  	p0 =	seq.s32 s10, $0x1;
	s10 =	sld [smem:$0x3FB6];
	_ =	sdelay $0x3  }
0x34: {  	[smem:$0x3FB6] =	sst s10  }
0x35: {  	s10 =	sld [smem:$0x3FB5];
	_ =	sdelay $0x3  }
0x36: {  	p1 =	seq.s32 s10, $0x1;
	s10 =	sld [smem:$0x3FB6];
	_ =	sdelay $0x3  }
0x37: {  	[smem:$0x3FB6] =	sst s10  }
0x38: {  	s10 =	sld [smem:$0x3FB7]  }
0x39: {  	_ = 	snop;
	(pc) =	sbr.ind lr, $3  }
0x3a: {  	_ = 	snop  }
0x3b: {  	_ = 	snop  }
0x3c: {  	p2 =	seq.s32 s10, $0x1;
	s10 =	sld [smem:$0x3FB6]  }
0x3d: {  	_ =	shalt  }
0x3e: {  	_ =	shalt  }
0x3f: {  	_ =	shalt  }
0x40: {  	_ =	shalt  }
0x41: {  	_ =	shalt  }
0x42: {  	_ =	shalt  }
0x43: {  	_ =	shalt  }
0x44: {  	_ =	shalt  }
0x45: {  	_ =	shalt  }
0x46: {  	_ =	shalt  }
0x47: {  	_ =	shalt  }
0x48: {  	_ =	shalt  }
0x49: {  	_ =	shalt  }
0x4a: {  	_ =	shalt  }
0x4b: {  	_ =	shalt  }
0x4c: {  	_ =	shalt  }
0x4d: {  	_ =	shalt  }
0x4e: {  	_ =	shalt  }
0x4f: {  	_ =	shalt  }
0x50: {  	_ =	shalt  }
0x51: {  	_ =	shalt  }
0x52: {  	_ =	shalt  }
0x53: {  	_ =	shalt  }
0x54: {  	_ =	shalt  }
0x55: {  	_ =	shalt  }
0x56: {  	_ =	shalt  }
0x57: {  	_ =	shalt  }
0x58: {  	_ =	shalt  }
0x59: {  	_ =	shalt  }
0x5a: {  	_ =	shalt  }
0x5b: {  	_ =	shalt  }
0x5c: {  	_ =	shalt  }
0x5d: {  	_ =	shalt  }
0x5e: {  	_ =	shalt  }
0x5f: {  	_ =	shalt  }
0x60: {  	_ =	shalt  }
0x61: {  	_ =	shalt  }
0x62: {  	_ =	shalt  }
0x63: {  	_ =	shalt  }
0x64: {  	_ =	shalt  }
0x65: {  	_ =	shalt  }
0x66: {  	_ =	shalt  }
0x67: {  	_ =	shalt  }
0x68: {  	_ =	shalt  }
0x69: {  	_ =	shalt  }
0x6a: {  	_ =	shalt  }
0x6b: {  	_ =	shalt  }
0x6c: {  	_ =	shalt  }
0x6d: {  	_ =	shalt  }
0x6e: {  	_ =	shalt  }
0x6f: {  	_ =	shalt  }
0x70: {  	_ =	shalt  }
0x71: {  	_ =	shalt  }
0x72: {  	_ =	shalt  }
0x73: {  	_ =	shalt  }
0x74: {  	_ =	shalt  }
0x75: {  	_ =	shalt  }
0x76: {  	_ =	shalt  }
0x77: {  	_ =	shalt  }
0x78: {  	_ =	shalt  }
0x79: {  	_ =	shalt  }
0x7a: {  	_ =	shalt  }
0x7b: {  	_ =	shalt  }
0x7c: {  	_ =	shalt  }
0x7d: {  	_ =	shalt  }
0x7e: {  	_ =	shalt  }
0x7f: {  	_ =	shalt  }
0x80: {  	_ =	shalt  }
0x81: {  	_ =	shalt  }
0x82: {  	_ =	shalt  }
0x83: {  	_ =	shalt  }
0x84: {  	_ =	shalt  }
0x85: {  	_ =	shalt  }
0x86: {  	_ =	shalt  }
0x87: {  	_ =	shalt  }
.Lfunc_end0:
.L_simem_size_0:
called_computation.1_lowered:
.L_overlay_start_0:
0x88: {  	s2 =	sld [smem:$0x3FD9]  }
0x89: {  	s3 =	sld [smem:$0x3FFE];
	_ =	sdelay $0x1  }
0x8a: {  	s1 =	srdreg.scid  }
0x8b: {  	s0 =	sand.u32 $0x1, s1  }
0x8c: {  	s17 =	sshll.u32 s0, $0xA;
	s2 =	sadd.s32 s3, s2  }
0x8d: {  	s2 =	sadd.s32 s2, s17  }
0x8e: {  	[smem:$0x3FC2] =	sst s2  }
0x8f: {  	_ = 	snop  }
0x90: {  	s2 =	sld [smem:$0x3FD0];
	(tm) =	ssettm $0x1  }
0x91: {  	s18 =	sld [smem:$0x3FFB];
	_ =	sdelay $0x3  }
0x92: {  	_ =	strace s18  }
0x93: {  	s3 =	sld [smem:$0x3FFC];
	_ =	sdelay $0x3  }
0x94: {  	_ =	strace s3  }
0x95: {  	s3 =	sld [smem:$0x3FFD];
	_ =	sdelay $0x3  }
0x96: {  	_ =	strace s3  }
0x97: {  	_ =	strace $0x8FFFFFFF  }
0x98: {  	s19 =	sld [smem:$0x3FDB];
	_ =	sdelay $0x1  }
0x99: {  	s4 =	simm.s32 $_scs_section_size  }
0x9a: {  	s5 =	simm.s32 $_size__tile_overlayer_lowered;
	s6 =	simm.s32 $_tile_overlayer_lowered  }
0x9b: {  	s22 =	simm.s32 $0x1BFF;
	s21 =	sshll.u32 s6, $0x1;
	s3 =	sadd.s32 s4, s19  }
0x9c: {  	s7 =	simm.s32 $0x0;
	s20 =	sshll.u32 s5, $0x1;
	s5 =	sadd.s32 s21, s3  }
0x9d: {  	[timem:s7], [sflag:s22] =	dma.local [hbm:s5], s20  }
0x9e: {  	_ =	swait.ge [sflag:s22], s20  }
0x9f: {  	s4 =	ssub.s32 $0x0, s20;
	[sflag:s22] =	ssyncset.done $0x0  }
0xa0: {  	[sflag:s22] =	ssyncadd.s32 s4;
	_ =	sdelay $0x1  }
0xa1: {  	s23 =	simm.s32 $0x1B8B  }
0xa2: {  	_ =	swait.ge [sflag:s23], $0x1  }
0xa3: {  	[sflag:s23] =	ssyncset.done $0x0  }
0xa4: {  	s25 =	simm.s32 $0x1B8E;
	s24 =	sld [smem:$0x3FFE];
	[sflag:s23] =	ssyncadd.s32 $0xFFFFFFFF  }
0xa5: {  	s26 =	simm.s32 $execute0_lowered;
	[smem:$0x3FD2] =	sst s25  }
0xa6: {  	s5 =	sshll.u32 s26, $0x1;
	_ =	strace $0x80000049;
	[dreg:$0x1] =	wrdreg $0xFFFFFFFF  }
0xa7: {  	s28 =	simm.s32 $_size_execute0_lowered;
	s3 =	sadd.s32 s3, s5;
	[dreg:$0x0] =	wrdreg $0x0  }
0xa8: {  	s5 =	sshll.u32 s28, $0x1;
	[dreg:$0x2] =	wrdreg s3  }
0xa9: {  	[dreg:$0x3] =	wrdreg s5  }
0xaa: {  	[dreg:$0x4] =	wrdreg $0xC0  }
0xab: {  	_ =	task [dreg:s7], $0x5FFFF  }
0xac: {  	[dreg:$0x1] =	wrdreg $0xFFFFFFFF  }
0xad: {  	[dreg:$0x0] =	wrdreg $0x60  }
0xae: {  	[dreg:$0x2] =	wrdreg s24  }
0xaf: {  	[dreg:$0x3] =	wrdreg s2  }
0xb0: {  	[dreg:$0x4] =	wrdreg $0x120000  }
0xb1: {  	[dreg:$0x5] =	wrdreg $0x9  }
0xb2: {  	_ =	task.clear_ibuf [dreg:s7], $0x6FFFF;
	_ =	strace $0x90000049  }
0xb3: {  	s29 =	simm.s32 $0x9;
	_ =	strace $0x8000004B  }
0xb4: {  	_ =	swait.ge [sflag:s29], $0x1  }
0xb5: {  	[sflag:s29] =	ssyncadd.s32 $0xFFFFFFFF  }
0xb6: {  	_ =	strace $0x9000004B  }
0xb7: {  	_ =	sfence  }
0xb8: {  	s30 =	sld [smem:$0x0];
	_ =	sdelay $0x2  }
0xb9: {  	s31 =	sshll.u32 s1, $0xD;
	s1 =	sshrl.u32 s1, $0x2  }
0xba: {  	s3 =	sand.u32 $0x4000, s31;
	s1 =	sadd.s32 s1, s30  }
0xbb: {  	s0 =	sor.u32 s3, s0;
	s1 =	sshll.u32 s1, $0x11  }
0xbc: {  	s0 =	sor.u32 s1, s0  }
0xbd: {  	s0 =	sadd.s32 $0x8F2B, s0  }
0xbe: {  	[sflag:s0] =	ssyncadd.remote.s32 $0x1  }
0xbf: {  	_ =	sfence.sel $0xFFFF  }
0xc0: {  	[dreg:$0x0] =	wrdreg $0xFFFFFFFF;
	(pc) =	sbr.abs _section_cstart, $3  }
0xc1: {  	[dreg:$0x1] =	wrdreg $0xFFFFFFFF  }
0xc2: {  	_ =	task.clear_ibuf [dreg:s7], $0x2FFFF;
	_ =	strace $0x9FFFFFFF  }
0xc3: {  	(tm) =	ssettm $0x7FFFFFFF  }
tec
execute0_lowered:
.L_overlay_start_1:
0x0: {  	(tag) =	ssettag $0x1  }
0x1: {  	s0 =	rddreg [dreg:$0x0]  }
0x2: {  	s1 =	rddreg [dreg:$0x1]  }
0x3: {  	s2 =	rddreg [dreg:$0x2];
	s3 =	simm.s32 $0x0;
	s10 =	stileid.u32  }
0x4: {  	s4 =	srdreg.scid;
	s13 =	simm.s32 $0x80;
	s14 =	simm.s32 $0xA000  }
0x5: {  	s15 =	simm.s32 $0xC000;
	s17 =	simm.s32 $0xE000;
	s19 =	simm.s32 $0x10000  }
0x6: {  	s20 =	simm.s32 $0x1;
	s21 =	simm.s32 $0x2;
	s22 =	simm.s32 $0x3  }
0x7: {  	s23 =	simm.s32 $0x4;
	s25 =	simm.s32 $0x5;
	s26 =	simm.s32 $0x6  }
0x8: {  	s28 =	simm.s32 $0x7;
	s29 =	simm.s32 $0x8;
	s31 =	simm.s32 $0x9E80  }
0x9: {  	[smem:$0x7FF] =	sst s3;
	s5 =	smul.u32 $0xA00, s10;
	s4 =	sand.u32 $0x1, s4  }
0xa: {  	s9 =	smul.u32 $0xA000, s10;
	s11 =	sshll.u32 s10, $0x6;
	_ =	strace $0x8000004A  }
0xb: {  	s6 =	smul.u32 $0x14000, s4;
	s4 =	ssub.s32 $0x2, s4;
	s11 =	sor.u32 $0x1C09, s11  }
0xc: {  	s7 =	sadd.s32 s5, s0;
	s8 =	sshrl.u32 s4, $0x1;
	s5 =	sadd.s32 s1, s5  }
0xd: {  	s30 =	sadd.s32 s9, s2;
	s9 =	sshrl.u32 s9, $0x3;
	s1 =	simm.s32 $0x9F80  }
0xe: {  	s0 =	sadd.s32 s6, s0;
	s8 =	ssub.s32 s4, s8;
	s4 =	sadd.s32 $0x16800, s7  }
0xf: {  	s12 =	sshrl.u32 s30, $0x3;
	s6 =	sadd.s32 $0x20800, s0;
	s0 =	sadd.s32 $0x48800, s0  }
0x10: {  	s7 =	smax.u32 s8, $0x1;
	s8 =	simm.s32 $0x9;
	s10 =	sadd.s32 s9, s6  }
0x11: {  	s24 =	sadd.s32 s9, s0;
	s0 =	simm.s32 $0x9F00;
	s9 =	simm.s32 $0x0  }
.LBB2_1:
0x12: {  	[tilespmem:s3], [sflag:$0x9] =	stream.linear.gather [hbm4b:s4+s3], $0x5000, $0x38;
	[tilespmem:$0x1C000] =	vst v63  }
0x13: {  	_ =	swait.ge [sflag:s8], $0x5000  }
0x14: {  	[sflag:s8] =	ssyncset.done $0x0  }
0x15: {  	s16 =	simm.s32 $0x5000;
	[sflag:s8] =	ssyncadd.s32 $0xFFFFB000  }
0x16: {  	[tilespmem:s16], [sflag:$0x9] =	stream.linear.gather [hbm4b:s5+s3], $0x5000, $0x38;
	[tilespmem:$0x1C000] =	vst v63  }
0x17: {  	_ =	swait.ge [sflag:s8], $0x5000  }
0x18: {  	[sflag:s8] =	ssyncset.done $0x0  }
0x19: {  	[sflag:s8] =	ssyncadd.s32 $0xFFFFB000  }
0x1a: {  	[spmem:s12], [sflag:s11] =	dma.local [hbm:s10], $0x1400  }
0x1b: {  	_ =	swait.ge [sflag:s8], $0x1400  }
0x1c: {  	[sflag:s8] =	ssyncset.done $0x0  }
0x1d: {  	[sflag:s8] =	ssyncadd.s32 $0xFFFFEC00  }
0x1e: {  	[bflag:$0x0] =	sbarrier.arrive $0xFFFF  }
0x1f: {  	[tilespmem:s14], [sflag:$0x1] =	stream.indirect.gather [hbm4b:s6+s13], $0x40, s3, s13, $0xb8;
	[tilespmem:$0x1C000] =	vst v63  }
0x20: {  	_ = 	snop  }
0x21: {  	[tilespmem:s15], [sflag:$0x2] =	stream.indirect.gather [hbm4b:s6+s13], $0x40, s13, s13, $0xb8;
	[tilespmem:$0x1C000] =	vst v63  }
0x22: {  	s30 =	simm.s32 $0x100  }
0x23: {  	[tilespmem:s17], [sflag:$0x3] =	stream.indirect.gather [hbm4b:s6+s13], $0x40, s30, s13, $0xb8;
	[tilespmem:$0x1C000] =	vst v63  }
0x24: {  	s18 =	simm.s32 $0x180  }
0x25: {  	[tilespmem:s19], [sflag:$0x4] =	stream.indirect.gather [hbm4b:s6+s13], $0x40, s18, s13, $0xb8;
	[tilespmem:$0x1C000] =	vst v63  }
0x26: {  	_ =	swait.ge [sflag:s20], $0x2000  }
0x27: {  	[sflag:s20] =	ssyncset.done $0x0  }
0x28: {  	s30 =	simm.s32 $0x5000;
	[sflag:s20] =	ssyncadd.s32 $0xFFFFE000  }
0x29: {  	[spmem:s2] =	stream.indirect.scatter.add.f32 [tilespmem:s14], [sflag:$0x5], $0x40, s30, s13, $0xb8;
	[tilespmem:$0x1C000] =	vst v63  }
0x2a: {  	_ =	swait.ge [sflag:s21], $0x2000  }
0x2b: {  	[sflag:s21] =	ssyncset.done $0x0  }
0x2c: {  	s18 =	simm.s32 $0x5080;
	[sflag:s21] =	ssyncadd.s32 $0xFFFFE000  }
0x2d: {  	[spmem:s2] =	stream.indirect.scatter.add.f32 [tilespmem:s15], [sflag:$0x6], $0x40, s18, s13, $0xb8;
	[tilespmem:$0x1C000] =	vst v63  }
0x2e: {  	_ =	swait.ge [sflag:s22], $0x2000  }
0x2f: {  	[sflag:s22] =	ssyncset.done $0x0  }
0x30: {  	s30 =	simm.s32 $0x5100;
	[sflag:s22] =	ssyncadd.s32 $0xFFFFE000  }
0x31: {  	[spmem:s2] =	stream.indirect.scatter.add.f32 [tilespmem:s17], [sflag:$0x7], $0x40, s30, s13, $0xb8;
	[tilespmem:$0x1C000] =	vst v63  }
0x32: {  	_ =	swait.ge [sflag:s23], $0x2000  }
0x33: {  	[sflag:s23] =	ssyncset.done $0x0  }
0x34: {  	s18 =	simm.s32 $0x5180;
	[sflag:s23] =	ssyncadd.s32 $0xFFFFE000  }
0x35: {  	[spmem:s2] =	stream.indirect.scatter.add.f32 [tilespmem:s19], [sflag:$0x8], $0x40, s18, s13, $0xb8;
	[tilespmem:$0x1C000] =	vst v63  }
0x36: {  	_ =	swait.ge [sflag:s25], $0x2000  }
0x37: {  	[sflag:s25] =	ssyncset.done $0x0  }
0x38: {  	s30 =	simm.s32 $0x200;
	[sflag:s25] =	ssyncadd.s32 $0xFFFFE000  }
0x39: {  	[tilespmem:s14], [sflag:$0x1] =	stream.indirect.gather [hbm4b:s6+s13], $0x40, s30, s13, $0xb8;
	[tilespmem:$0x1C000] =	vst v63  }
0x3a: {  	_ =	swait.ge [sflag:s26], $0x2000  }
0x3b: {  	[sflag:s26] =	ssyncset.done $0x0  }
0x3c: {  	s18 =	simm.s32 $0x280;
	[sflag:s26] =	ssyncadd.s32 $0xFFFFE000  }
0x3d: {  	[tilespmem:s15], [sflag:$0x2] =	stream.indirect.gather [hbm4b:s6+s13], $0x40, s18, s13, $0xb8;
	[tilespmem:$0x1C000] =	vst v63  }
0x3e: {  	_ =	swait.ge [sflag:s28], $0x2000  }
0x3f: {  	[sflag:s28] =	ssyncset.done $0x0  }
0x40: {  	s30 =	simm.s32 $0x300;
	[sflag:s28] =	ssyncadd.s32 $0xFFFFE000  }
0x41: {  	[tilespmem:s17], [sflag:$0x3] =	stream.indirect.gather [hbm4b:s6+s13], $0x40, s30, s13, $0xb8;
	[tilespmem:$0x1C000] =	vst v63  }
0x42: {  	_ =	swait.ge [sflag:s29], $0x2000  }
0x43: {  	[sflag:s29] =	ssyncset.done $0x0  }
0x44: {  	s16 =	simm.s32 $0x800;
	s18 =	simm.s32 $0x380;
	[sflag:s29] =	ssyncadd.s32 $0xFFFFE000  }
.LBB2_2:
0x45: {  	[tilespmem:s19], [sflag:$0x4] =	stream.indirect.gather [hbm4b:s6+s13], $0x40, s18, s13, $0xb8;
	[tilespmem:$0x1C000] =	vst v63  }
0x46: {  	s18 =	smov.u32 s16  }
0x47: {  	p0 =	sne.s32 s16, $0x13000;
	s16 =	sadd.s32 $0x800, s16;
	_ =	swait.ge [sflag:s20], $0x2000  }
0x48: {  	s18 =	sshra.s32 s18, $0x2;
	[sflag:s20] =	ssyncset.done $0x0  }
0x49: {  	s30 =	sadd.s32 $0x5000, s18;
	[sflag:s20] =	ssyncadd.s32 $0xFFFFE000  }
0x4a: {  	[spmem:s2] =	stream.indirect.scatter.add.f32 [tilespmem:s14], [sflag:$0x5], $0x40, s30, s13, $0xb8;
	[tilespmem:$0x1C000] =	vst v63  }
0x4b: {  	_ =	swait.ge [sflag:s21], $0x2000  }
0x4c: {  	[sflag:s21] =	ssyncset.done $0x0  }
0x4d: {  	s30 =	sadd.s32 $0x5080, s18;
	[sflag:s21] =	ssyncadd.s32 $0xFFFFE000  }
0x4e: {  	[spmem:s2] =	stream.indirect.scatter.add.f32 [tilespmem:s15], [sflag:$0x6], $0x40, s30, s13, $0xb8;
	[tilespmem:$0x1C000] =	vst v63  }
0x4f: {  	_ =	swait.ge [sflag:s22], $0x2000  }
0x50: {  	[sflag:s22] =	ssyncset.done $0x0  }
0x51: {  	s30 =	sadd.s32 $0x5100, s18;
	[sflag:s22] =	ssyncadd.s32 $0xFFFFE000  }
0x52: {  	[spmem:s2] =	stream.indirect.scatter.add.f32 [tilespmem:s17], [sflag:$0x7], $0x40, s30, s13, $0xb8;
	[tilespmem:$0x1C000] =	vst v63  }
0x53: {  	_ =	swait.ge [sflag:s23], $0x2000  }
0x54: {  	[sflag:s23] =	ssyncset.done $0x0  }
0x55: {  	s30 =	sadd.s32 $0x5180, s18;
	[sflag:s23] =	ssyncadd.s32 $0xFFFFE000  }
0x56: {  	[spmem:s2] =	stream.indirect.scatter.add.f32 [tilespmem:s19], [sflag:$0x8], $0x40, s30, s13, $0xb8;
	[tilespmem:$0x1C000] =	vst v63  }
0x57: {  	_ =	swait.ge [sflag:s25], $0x2000  }
0x58: {  	[sflag:s25] =	ssyncset.done $0x0  }
0x59: {  	s30 =	sadd.s32 $0x200, s18;
	[sflag:s25] =	ssyncadd.s32 $0xFFFFE000  }
0x5a: {  	[tilespmem:s14], [sflag:$0x1] =	stream.indirect.gather [hbm4b:s6+s13], $0x40, s30, s13, $0xb8;
	[tilespmem:$0x1C000] =	vst v63  }
0x5b: {  	_ =	swait.ge [sflag:s26], $0x2000  }
0x5c: {  	[sflag:s26] =	ssyncset.done $0x0  }
0x5d: {  	s30 =	sadd.s32 $0x280, s18;
	[sflag:s26] =	ssyncadd.s32 $0xFFFFE000  }
0x5e: {  	[tilespmem:s15], [sflag:$0x2] =	stream.indirect.gather [hbm4b:s6+s13], $0x40, s30, s13, $0xb8;
	[tilespmem:$0x1C000] =	vst v63  }
0x5f: {  	_ =	swait.ge [sflag:s28], $0x2000  }
0x60: {  	[sflag:s28] =	ssyncset.done $0x0  }
.Ltmp0:
0x61: {  	s30 =	sadd.s32 $0x300, s18;
	[sflag:s28] =	ssyncadd.s32 $0xFFFFE000;
	(pc) =	sbr.rel @p0 .LBB2_2-.Ltmp0, $4  }
0x62: {  	[tilespmem:s17], [sflag:$0x3] =	stream.indirect.gather [hbm4b:s6+s13], $0x40, s30, s13, $0xb8;
	[tilespmem:$0x1C000] =	vst v63  }
0x63: {  	_ =	swait.ge [sflag:s29], $0x2000  }
0x64: {  	[sflag:s29] =	ssyncset.done $0x0  }
0x65: {  	s18 =	sadd.s32 $0x380, s18;
	[sflag:s29] =	ssyncadd.s32 $0xFFFFE000  }
0x66: {  	[tilespmem:s19], [sflag:$0x4] =	stream.indirect.gather [hbm4b:s6+s13], $0x40, s18, s13, $0xb8;
	[tilespmem:$0x1C000] =	vst v63  }
0x67: {  	_ =	swait.ge [sflag:s20], $0x2000  }
0x68: {  	[sflag:s20] =	ssyncset.done $0x0  }
0x69: {  	s16 =	simm.s32 $0x9E00;
	[sflag:s20] =	ssyncadd.s32 $0xFFFFE000  }
0x6a: {  	[spmem:s2] =	stream.indirect.scatter.add.f32 [tilespmem:s14], [sflag:$0x5], $0x40, s16, s13, $0xb8;
	[tilespmem:$0x1C000] =	vst v63  }
0x6b: {  	_ =	swait.ge [sflag:s21], $0x2000  }
0x6c: {  	[sflag:s21] =	ssyncset.done $0x0  }
0x6d: {  	[sflag:s21] =	ssyncadd.s32 $0xFFFFE000  }
0x6e: {  	[spmem:s2] =	stream.indirect.scatter.add.f32 [tilespmem:s15], [sflag:$0x6], $0x40, s31, s13, $0xb8;
	[tilespmem:$0x1C000] =	vst v63  }
0x6f: {  	_ =	swait.ge [sflag:s22], $0x2000  }
0x70: {  	[sflag:s22] =	ssyncset.done $0x0  }
0x71: {  	[sflag:s22] =	ssyncadd.s32 $0xFFFFE000  }
0x72: {  	[spmem:s2] =	stream.indirect.scatter.add.f32 [tilespmem:s17], [sflag:$0x7], $0x40, s0, s13, $0xb8;
	[tilespmem:$0x1C000] =	vst v63  }
0x73: {  	_ =	swait.ge [sflag:s23], $0x2000  }
0x74: {  	[sflag:s23] =	ssyncset.done $0x0  }
0x75: {  	[sflag:s23] =	ssyncadd.s32 $0xFFFFE000  }
0x76: {  	[spmem:s2] =	stream.indirect.scatter.add.f32 [tilespmem:s19], [sflag:$0x8], $0x40, s1, s13, $0xb8;
	[tilespmem:$0x1C000] =	vst v63  }
0x77: {  	_ =	swait.ge [sflag:s25], $0x2000  }
0x78: {  	[sflag:s25] =	ssyncset.done $0x0  }
0x79: {  	[sflag:s25] =	ssyncadd.s32 $0xFFFFE000  }
0x7a: {  	_ =	swait.ge [sflag:s26], $0x2000  }
0x7b: {  	[sflag:s26] =	ssyncset.done $0x0  }
0x7c: {  	[sflag:s26] =	ssyncadd.s32 $0xFFFFE000  }
0x7d: {  	_ =	swait.ge [sflag:s28], $0x2000  }
0x7e: {  	[sflag:s28] =	ssyncset.done $0x0  }
0x7f: {  	[sflag:s28] =	ssyncadd.s32 $0xFFFFE000  }
0x80: {  	_ =	swait.ge [sflag:s29], $0x2000  }
0x81: {  	s9 =	sadd.s32 $0x1, s9;
	[sflag:s29] =	ssyncset.done $0x0  }
0x82: {  	p0 =	sne.s32 s9, s7;
	[sflag:s29] =	ssyncadd.s32 $0xFFFFE000  }
.Ltmp1:
0x83: {  	[bflag:$0x0] =	sbarrier.arrive $0xFFFF;
	(pc) =	sbr.rel @p0 .LBB2_1-.Ltmp1, $4  }
0x84: {  	[hbm:s24], [sflag:s11] =	dma.local [spmem:s12], $0x1400  }
0x85: {  	_ =	swait.ge [sflag:s8], $0x1400  }
0x86: {  	[sflag:s8] =	ssyncset.done $0x0  }
0x87: {  	[sflag:s8] =	ssyncadd.s32 $0xFFFFEC00  }
0x88: {  	_ =	sfence.sel $0x180000  }
0x89: {  	[bflag:$0x0] =	sbarrier.arrive $0xFFFF  }
0x8a: {  	_ =	strace $0x9000004A  }
0x8b: {  	s0 =	stileid.u32;
	[bflag:$0x2] =	sbarrier.arrive $0xFFFF  }
0x8c: {  	p0 =	sne.s32 s0, $0x0;
	s0 =	rddreg [dreg:$0x3]  }
0x8d: {  	s0 =	sadd.s32 @!p0 $0x100000, s0  }
0x8e: {  	[sflag:s0] =	ssyncadd.tile.s32 @!p0 $0x1;
	_ =	shalt  }
.Lfunc_end2:
_tile_overlayer_lowered:
.L_overlay_start_2:
0x8f: {  	(tag) =	ssettag $0x2  }
0x90: {  	s0 =	rddreg [dreg:$0x0];
	s2 =	stileid.u32  }
0x91: {  	s1 =	rddreg [dreg:$0x1];
	p0 =	sne.s32 s2, $0x0  }
0x92: {  	s3 =	rddreg [dreg:$0x2];
	[bflag:$0x3] =	sbarrier.arrive $0xFFFF;
	s2 =	simm.s32 @!p0 $0x1C09  }
0x93: {  	[timem:s3], [sflag:s2] =	dma.local @!p0 [hbm:s0], s1  }
0x94: {  	s0 =	simm.s32 @!p0 $0x9  }
0x95: {  	_ =	swait.ge @!p0 [sflag:s0], s1  }
0x96: {  	s1 =	ssub.s32 @!p0 $0x0, s1;
	[sflag:s0] =	ssyncset.done @!p0 $0x0  }
0x97: {  	[sflag:s0] =	ssyncadd.s32 @!p0 s1  }
0x98: {  	[bflag:$0x3] =	sbarrier.arrive $0xFFFF  }
0x99: {  	_ =	shalt  }

// kernel: kernel.14.cloned.1.call-start
scs
__scs_entry_jumppad:
0x0: {  	(pc) =	sbr.rel $0x88, $3  }
0x1: {  	(tag) =	ssettag $0x0;
	lr =	simm.s32 $0x1  }
0x2: {  	[smem:$0x3F9B] =	sst lr;
	_ =	strace $0xD0000000  }
0x3: {  	_ = 	snop  }
0x4: {  	_ = 	snop  }
0x5: {  	_ = 	snop  }
0x6: {  	_ = 	snop  }
0x7: {  	_ = 	snop  }
__scs_overlays_trampoline_lowered:
0x8: {  	[smem:$0x3FAA] =	sst s0  }
0x9: {  	[smem:$0x3FAB] =	sst s1  }
0xa: {  	[smem:$0x3FAC] =	sst s2  }
0xb: {  	[smem:$0x3FAD] =	sst s3  }
0xc: {  	[smem:$0x3FAE] =	sst s4  }
0xd: {  	[smem:$0x3FAF] =	sst s5  }
0xe: {  	[smem:$0x3FB0] =	sst s6  }
0xf: {  	[smem:$0x3FB1] =	sst s7  }
0x10: {  	[smem:$0x3FB2] =	sst s8  }
0x11: {  	[smem:$0x3FB3] =	sst s9;
	s0 =	simm.s32 @!p0 $0x0  }
0x12: {  	s1 =	sld [smem:$0x3F99];
	s0 =	simm.s32 @p0 $0x1  }
0x13: {  	[smem:$0x3FB4] =	sst s0;
	s0 =	simm.s32 @!p1 $0x0  }
0x14: {  	s2 =	sld [smem:$0x3F98];
	s0 =	simm.s32 @p1 $0x1  }
0x15: {  	[smem:$0x3FB5] =	sst s0;
	s0 =	simm.s32 @!p2 $0x0  }
0x16: {  	s3 =	sld [smem:$0x3FDB];
	s0 =	simm.s32 @p2 $0x1  }
0x17: {  	s4 =	simm.s32 $0x1BF5;
	[smem:$0x3FB7] =	sst s0  }
0x18: {  	s0 =	sld [smem:$0x3F9A];
	_ =	swait.ge [sflag:s4], $0x0  }
0x19: {  	s7 =	sld [smem:$0x3F9B]  }
0x1a: {  	s8 =	sadd.s32 $0xFFFFE003, lr  }
0x1b: {  	s9 =	sadd.s32 $0xFFFFFEF7, lr;
	s5 =	simm.s32 $0xFFFFFFFF;
	p2 =	slt.u32 s8, $0xFFFFF086  }
0x1c: {  	p1 =	slt.u32 s9, $0xF7A;
	s5 =	simm.s32 @!p2 $0x0  }
0x1d: {  	s5 =	simm.s32 @p1 $0x1;
	p0 =	seq.s32 s7, s2  }
0x1e: {  	s7 =	smul.u32 @!p0 $0xF7A, s2;
	p2 =	seq.s32 @!p0 s5, $0x0  }
0x1f: {  	s9 =	smul.u32 $0xF7A, s1;
	s8 =	simm.s32 @!p0 $0x1BF5;
	p2 =	por !p2, p0  }
0x20: {  	[sflag:s8] =	ssyncset.s32 @!p0 $0xFFFFF086;
	s6 =	sadd.s32 @!p0 s3, s7;
	s7 =	simm.s32 @!p0 $0x108  }
0x21: {  	s3 =	sadd.s32 s3, s9;
	s6 =	sadd.s32 @!p0 $0x88, s6;
	s7 =	simm.s32 @p2 $0x1082  }
0x22: {  	[simem:s7], [sflag:s8] =	dma.local @!p0 [hbm:s6], $0xF7A  }
0x23: {  	s9 =	sor.u32 $0xD0000000, s2;
	s6 =	simm.s32 $0x108;
	_ =	swait.ge @!p0 [sflag:s8], $0x0  }
0x24: {  	s3 =	sadd.s32 $0x88, s3;
	s6 =	simm.s32 @!p1 $0x1082;
	[sflag:s4] =	ssyncset.s32 $0xFFFFF086  }
0x25: {  	[simem:s6], [sflag:s4] =	dma.local [hbm:s3], $0xF7A  }
0x26: {  	[smem:$0x3F9B] =	sst s1;
	(tag) =	ssettag s2;
	_ =	strace s9  }
0x27: {  	s1 =	sld [smem:$0x3FAB]  }
0x28: {  	s2 =	sld [smem:$0x3FAC]  }
0x29: {  	s4 =	sld [smem:$0x3FAE]  }
0x2a: {  	p0 =	seq.s32 s5, $0x0;
	s5 =	sld [smem:$0x3FAF]  }
0x2b: {  	s6 =	sld [smem:$0x3FB0]  }
0x2c: {  	s7 =	sld [smem:$0x3FB1]  }
0x2d: {  	s3 =	simm.s32 $0x108;
	s8 =	sld [smem:$0x3FB2]  }
0x2e: {  	s3 =	simm.s32 @!p0 $0x1082;
	s9 =	sld [smem:$0x3FB3]  }
0x2f: {  	lr =	sadd.s32 s0, s3;
	s0 =	sld [smem:$0x3FAA]  }
0x30: {  	s3 =	sld [smem:$0x3FAD]  }
0x31: {  	[smem:$0x3FB6] =	sst s10  }
0x32: {  	s10 =	sld [smem:$0x3FB4];
	_ =	sdelay $0x3  }
0x33: {  	p0 =	seq.s32 s10, $0x1;
	s10 =	sld [smem:$0x3FB6];
	_ =	sdelay $0x3  }
0x34: {  	[smem:$0x3FB6] =	sst s10  }
0x35: {  	s10 =	sld [smem:$0x3FB5];
	_ =	sdelay $0x3  }
0x36: {  	p1 =	seq.s32 s10, $0x1;
	s10 =	sld [smem:$0x3FB6];
	_ =	sdelay $0x3  }
0x37: {  	[smem:$0x3FB6] =	sst s10  }
0x38: {  	s10 =	sld [smem:$0x3FB7]  }
0x39: {  	_ = 	snop;
	(pc) =	sbr.ind lr, $3  }
0x3a: {  	_ = 	snop  }
0x3b: {  	_ = 	snop  }
0x3c: {  	p2 =	seq.s32 s10, $0x1;
	s10 =	sld [smem:$0x3FB6]  }
0x3d: {  	_ =	shalt  }
0x3e: {  	_ =	shalt  }
0x3f: {  	_ =	shalt  }
0x40: {  	_ =	shalt  }
0x41: {  	_ =	shalt  }
0x42: {  	_ =	shalt  }
0x43: {  	_ =	shalt  }
0x44: {  	_ =	shalt  }
0x45: {  	_ =	shalt  }
0x46: {  	_ =	shalt  }
0x47: {  	_ =	shalt  }
0x48: {  	_ =	shalt  }
0x49: {  	_ =	shalt  }
0x4a: {  	_ =	shalt  }
0x4b: {  	_ =	shalt  }
0x4c: {  	_ =	shalt  }
0x4d: {  	_ =	shalt  }
0x4e: {  	_ =	shalt  }
0x4f: {  	_ =	shalt  }
0x50: {  	_ =	shalt  }
0x51: {  	_ =	shalt  }
0x52: {  	_ =	shalt  }
0x53: {  	_ =	shalt  }
0x54: {  	_ =	shalt  }
0x55: {  	_ =	shalt  }
0x56: {  	_ =	shalt  }
0x57: {  	_ =	shalt  }
0x58: {  	_ =	shalt  }
0x59: {  	_ =	shalt  }
0x5a: {  	_ =	shalt  }
0x5b: {  	_ =	shalt  }
0x5c: {  	_ =	shalt  }
0x5d: {  	_ =	shalt  }
0x5e: {  	_ =	shalt  }
0x5f: {  	_ =	shalt  }
0x60: {  	_ =	shalt  }
0x61: {  	_ =	shalt  }
0x62: {  	_ =	shalt  }
0x63: {  	_ =	shalt  }
0x64: {  	_ =	shalt  }
0x65: {  	_ =	shalt  }
0x66: {  	_ =	shalt  }
0x67: {  	_ =	shalt  }
0x68: {  	_ =	shalt  }
0x69: {  	_ =	shalt  }
0x6a: {  	_ =	shalt  }
0x6b: {  	_ =	shalt  }
0x6c: {  	_ =	shalt  }
0x6d: {  	_ =	shalt  }
0x6e: {  	_ =	shalt  }
0x6f: {  	_ =	shalt  }
0x70: {  	_ =	shalt  }
0x71: {  	_ =	shalt  }
0x72: {  	_ =	shalt  }
0x73: {  	_ =	shalt  }
0x74: {  	_ =	shalt  }
0x75: {  	_ =	shalt  }
0x76: {  	_ =	shalt  }
0x77: {  	_ =	shalt  }
0x78: {  	_ =	shalt  }
0x79: {  	_ =	shalt  }
0x7a: {  	_ =	shalt  }
0x7b: {  	_ =	shalt  }
0x7c: {  	_ =	shalt  }
0x7d: {  	_ =	shalt  }
0x7e: {  	_ =	shalt  }
0x7f: {  	_ =	shalt  }
0x80: {  	_ =	shalt  }
0x81: {  	_ =	shalt  }
0x82: {  	_ =	shalt  }
0x83: {  	_ =	shalt  }
0x84: {  	_ =	shalt  }
0x85: {  	_ =	shalt  }
0x86: {  	_ =	shalt  }
0x87: {  	_ =	shalt  }
.Lfunc_end0:
.L_simem_size_0:
called_computation.2_lowered:
.L_overlay_start_0:
0x88: {  	s2 =	sld [smem:$0x3FD9]  }
0x89: {  	s3 =	sld [smem:$0x3FFE];
	_ =	sdelay $0x1  }
0x8a: {  	s1 =	srdreg.scid  }
0x8b: {  	s0 =	sand.u32 $0x1, s1  }
0x8c: {  	s17 =	sshll.u32 s0, $0xA;
	s2 =	sadd.s32 s3, s2  }
0x8d: {  	s2 =	sadd.s32 s2, s17  }
0x8e: {  	[smem:$0x3FC2] =	sst s2  }
0x8f: {  	_ = 	snop  }
0x90: {  	s2 =	sld [smem:$0x3FD0];
	(tm) =	ssettm $0x1  }
0x91: {  	s18 =	sld [smem:$0x3FFB];
	_ =	sdelay $0x3  }
0x92: {  	_ =	strace s18  }
0x93: {  	s3 =	sld [smem:$0x3FFC];
	_ =	sdelay $0x3  }
0x94: {  	_ =	strace s3  }
0x95: {  	s3 =	sld [smem:$0x3FFD];
	_ =	sdelay $0x3  }
0x96: {  	_ =	strace s3  }
0x97: {  	_ =	strace $0x8FFFFFFF  }
0x98: {  	s19 =	sld [smem:$0x3FDB];
	_ =	sdelay $0x1  }
0x99: {  	s4 =	simm.s32 $_scs_section_size  }
0x9a: {  	s5 =	simm.s32 $_size__tile_overlayer_lowered;
	s6 =	simm.s32 $_tile_overlayer_lowered  }
0x9b: {  	s22 =	simm.s32 $0x1BFF;
	s21 =	sshll.u32 s6, $0x1;
	s3 =	sadd.s32 s4, s19  }
0x9c: {  	s7 =	simm.s32 $0x0;
	s20 =	sshll.u32 s5, $0x1;
	s5 =	sadd.s32 s21, s3  }
0x9d: {  	[timem:s7], [sflag:s22] =	dma.local [hbm:s5], s20  }
0x9e: {  	_ =	swait.ge [sflag:s22], s20  }
0x9f: {  	s4 =	ssub.s32 $0x0, s20;
	[sflag:s22] =	ssyncset.done $0x0  }
0xa0: {  	[sflag:s22] =	ssyncadd.s32 s4;
	_ =	sdelay $0x1  }
0xa1: {  	s23 =	simm.s32 $0x1B8B  }
0xa2: {  	_ =	swait.ge [sflag:s23], $0x1  }
0xa3: {  	[sflag:s23] =	ssyncset.done $0x0  }
0xa4: {  	s25 =	simm.s32 $0x1B8E;
	s24 =	sld [smem:$0x3FFE];
	[sflag:s23] =	ssyncadd.s32 $0xFFFFFFFF  }
0xa5: {  	s26 =	simm.s32 $execute0_lowered;
	[smem:$0x3FD2] =	sst s25  }
0xa6: {  	s5 =	sshll.u32 s26, $0x1;
	_ =	strace $0x8000004C;
	[dreg:$0x1] =	wrdreg $0xFFFFFFFF  }
0xa7: {  	s28 =	simm.s32 $_size_execute0_lowered;
	s3 =	sadd.s32 s3, s5;
	[dreg:$0x0] =	wrdreg $0x0  }
0xa8: {  	s5 =	sshll.u32 s28, $0x1;
	[dreg:$0x2] =	wrdreg s3  }
0xa9: {  	[dreg:$0x3] =	wrdreg s5  }
0xaa: {  	[dreg:$0x4] =	wrdreg $0xC0  }
0xab: {  	_ =	task [dreg:s7], $0x5FFFF  }
0xac: {  	[dreg:$0x1] =	wrdreg $0xFFFFFFFF  }
0xad: {  	[dreg:$0x0] =	wrdreg $0x60  }
0xae: {  	[dreg:$0x2] =	wrdreg s24  }
0xaf: {  	[dreg:$0x3] =	wrdreg s2  }
0xb0: {  	[dreg:$0x4] =	wrdreg $0x120000  }
0xb1: {  	[dreg:$0x5] =	wrdreg $0x9  }
0xb2: {  	_ =	task.clear_ibuf [dreg:s7], $0x6FFFF;
	_ =	strace $0x9000004C  }
0xb3: {  	s29 =	simm.s32 $0x9;
	_ =	strace $0x8000004E  }
0xb4: {  	_ =	swait.ge [sflag:s29], $0x1  }
0xb5: {  	[sflag:s29] =	ssyncadd.s32 $0xFFFFFFFF  }
0xb6: {  	_ =	strace $0x9000004E  }
0xb7: {  	_ =	sfence  }
0xb8: {  	s30 =	sld [smem:$0x0];
	_ =	sdelay $0x2  }
0xb9: {  	s31 =	sshll.u32 s1, $0xD;
	s1 =	sshrl.u32 s1, $0x2  }
0xba: {  	s3 =	sand.u32 $0x4000, s31;
	s1 =	sadd.s32 s1, s30  }
0xbb: {  	s0 =	sor.u32 s3, s0;
	s1 =	sshll.u32 s1, $0x11  }
0xbc: {  	s0 =	sor.u32 s1, s0  }
0xbd: {  	s0 =	sadd.s32 $0x8F2B, s0  }
0xbe: {  	[sflag:s0] =	ssyncadd.remote.s32 $0x1  }
0xbf: {  	_ =	sfence.sel $0xFFFF  }
0xc0: {  	[dreg:$0x0] =	wrdreg $0xFFFFFFFF;
	(pc) =	sbr.abs _section_cstart, $3  }
0xc1: {  	[dreg:$0x1] =	wrdreg $0xFFFFFFFF  }
0xc2: {  	_ =	task.clear_ibuf [dreg:s7], $0x2FFFF;
	_ =	strace $0x9FFFFFFF  }
0xc3: {  	(tm) =	ssettm $0x7FFFFFFF  }
tec
execute0_lowered:
.L_overlay_start_1:
0x0: {  	(tag) =	ssettag $0x1  }
0x1: {  	s0 =	rddreg [dreg:$0x0]  }
0x2: {  	s1 =	rddreg [dreg:$0x1]  }
0x3: {  	s2 =	rddreg [dreg:$0x2];
	s3 =	simm.s32 $0x0;
	s10 =	stileid.u32  }
0x4: {  	s4 =	srdreg.scid;
	s13 =	simm.s32 $0x80;
	s14 =	simm.s32 $0xA000  }
0x5: {  	s15 =	simm.s32 $0xC000;
	s17 =	simm.s32 $0xE000;
	s19 =	simm.s32 $0x10000  }
0x6: {  	s20 =	simm.s32 $0x1;
	s21 =	simm.s32 $0x2;
	s22 =	simm.s32 $0x3  }
0x7: {  	s23 =	simm.s32 $0x4;
	s25 =	simm.s32 $0x5;
	s26 =	simm.s32 $0x6  }
0x8: {  	s28 =	simm.s32 $0x7;
	s29 =	simm.s32 $0x8;
	s31 =	simm.s32 $0x9E80  }
0x9: {  	[smem:$0x7FF] =	sst s3;
	s5 =	smul.u32 $0xA00, s10;
	s4 =	sand.u32 $0x1, s4  }
0xa: {  	s9 =	smul.u32 $0xA000, s10;
	s11 =	sshll.u32 s10, $0x6;
	_ =	strace $0x8000004D  }
0xb: {  	s6 =	smul.u32 $0x14000, s4;
	s4 =	ssub.s32 $0x2, s4;
	s11 =	sor.u32 $0x1C09, s11  }
0xc: {  	s7 =	sadd.s32 s5, s0;
	s8 =	sshrl.u32 s4, $0x1;
	s5 =	sadd.s32 s1, s5  }
0xd: {  	s30 =	sadd.s32 s9, s2;
	s9 =	sshrl.u32 s9, $0x3;
	s1 =	simm.s32 $0x9F80  }
0xe: {  	s0 =	sadd.s32 s6, s0;
	s8 =	ssub.s32 s4, s8;
	s4 =	sadd.s32 $0x16800, s7  }
0xf: {  	s12 =	sshrl.u32 s30, $0x3;
	s6 =	sadd.s32 $0x20800, s0;
	s0 =	sadd.s32 $0x48800, s0  }
0x10: {  	s7 =	smax.u32 s8, $0x1;
	s8 =	simm.s32 $0x9;
	s10 =	sadd.s32 s9, s6  }
0x11: {  	s24 =	sadd.s32 s9, s0;
	s0 =	simm.s32 $0x9F00;
	s9 =	simm.s32 $0x0  }
.LBB2_1:
0x12: {  	[tilespmem:s3], [sflag:$0x9] =	stream.linear.gather [hbm4b:s4+s3], $0x5000, $0x38;
	[tilespmem:$0x1C000] =	vst v63  }
0x13: {  	_ =	swait.ge [sflag:s8], $0x5000  }
0x14: {  	[sflag:s8] =	ssyncset.done $0x0  }
0x15: {  	s16 =	simm.s32 $0x5000;
	[sflag:s8] =	ssyncadd.s32 $0xFFFFB000  }
0x16: {  	[tilespmem:s16], [sflag:$0x9] =	stream.linear.gather [hbm4b:s5+s3], $0x5000, $0x38;
	[tilespmem:$0x1C000] =	vst v63  }
0x17: {  	_ =	swait.ge [sflag:s8], $0x5000  }
0x18: {  	[sflag:s8] =	ssyncset.done $0x0  }
0x19: {  	[sflag:s8] =	ssyncadd.s32 $0xFFFFB000  }
0x1a: {  	[spmem:s12], [sflag:s11] =	dma.local [hbm:s10], $0x1400  }
0x1b: {  	_ =	swait.ge [sflag:s8], $0x1400  }
0x1c: {  	[sflag:s8] =	ssyncset.done $0x0  }
0x1d: {  	[sflag:s8] =	ssyncadd.s32 $0xFFFFEC00  }
0x1e: {  	[bflag:$0x0] =	sbarrier.arrive $0xFFFF  }
0x1f: {  	[tilespmem:s14], [sflag:$0x1] =	stream.indirect.gather [hbm4b:s6+s13], $0x40, s3, s13, $0xb8;
	[tilespmem:$0x1C000] =	vst v63  }
0x20: {  	_ = 	snop  }
0x21: {  	[tilespmem:s15], [sflag:$0x2] =	stream.indirect.gather [hbm4b:s6+s13], $0x40, s13, s13, $0xb8;
	[tilespmem:$0x1C000] =	vst v63  }
0x22: {  	s30 =	simm.s32 $0x100  }
0x23: {  	[tilespmem:s17], [sflag:$0x3] =	stream.indirect.gather [hbm4b:s6+s13], $0x40, s30, s13, $0xb8;
	[tilespmem:$0x1C000] =	vst v63  }
0x24: {  	s18 =	simm.s32 $0x180  }
0x25: {  	[tilespmem:s19], [sflag:$0x4] =	stream.indirect.gather [hbm4b:s6+s13], $0x40, s18, s13, $0xb8;
	[tilespmem:$0x1C000] =	vst v63  }
0x26: {  	_ =	swait.ge [sflag:s20], $0x2000  }
0x27: {  	[sflag:s20] =	ssyncset.done $0x0  }
0x28: {  	s30 =	simm.s32 $0x5000;
	[sflag:s20] =	ssyncadd.s32 $0xFFFFE000  }
0x29: {  	[spmem:s2] =	stream.indirect.scatter.add.f32 [tilespmem:s14], [sflag:$0x5], $0x40, s30, s13, $0xb8;
	[tilespmem:$0x1C000] =	vst v63  }
0x2a: {  	_ =	swait.ge [sflag:s21], $0x2000  }
0x2b: {  	[sflag:s21] =	ssyncset.done $0x0  }
0x2c: {  	s18 =	simm.s32 $0x5080;
	[sflag:s21] =	ssyncadd.s32 $0xFFFFE000  }
0x2d: {  	[spmem:s2] =	stream.indirect.scatter.add.f32 [tilespmem:s15], [sflag:$0x6], $0x40, s18, s13, $0xb8;
	[tilespmem:$0x1C000] =	vst v63  }
0x2e: {  	_ =	swait.ge [sflag:s22], $0x2000  }
0x2f: {  	[sflag:s22] =	ssyncset.done $0x0  }
0x30: {  	s30 =	simm.s32 $0x5100;
	[sflag:s22] =	ssyncadd.s32 $0xFFFFE000  }
0x31: {  	[spmem:s2] =	stream.indirect.scatter.add.f32 [tilespmem:s17], [sflag:$0x7], $0x40, s30, s13, $0xb8;
	[tilespmem:$0x1C000] =	vst v63  }
0x32: {  	_ =	swait.ge [sflag:s23], $0x2000  }
0x33: {  	[sflag:s23] =	ssyncset.done $0x0  }
0x34: {  	s18 =	simm.s32 $0x5180;
	[sflag:s23] =	ssyncadd.s32 $0xFFFFE000  }
0x35: {  	[spmem:s2] =	stream.indirect.scatter.add.f32 [tilespmem:s19], [sflag:$0x8], $0x40, s18, s13, $0xb8;
	[tilespmem:$0x1C000] =	vst v63  }
0x36: {  	_ =	swait.ge [sflag:s25], $0x2000  }
0x37: {  	[sflag:s25] =	ssyncset.done $0x0  }
0x38: {  	s30 =	simm.s32 $0x200;
	[sflag:s25] =	ssyncadd.s32 $0xFFFFE000  }
0x39: {  	[tilespmem:s14], [sflag:$0x1] =	stream.indirect.gather [hbm4b:s6+s13], $0x40, s30, s13, $0xb8;
	[tilespmem:$0x1C000] =	vst v63  }
0x3a: {  	_ =	swait.ge [sflag:s26], $0x2000  }
0x3b: {  	[sflag:s26] =	ssyncset.done $0x0  }
0x3c: {  	s18 =	simm.s32 $0x280;
	[sflag:s26] =	ssyncadd.s32 $0xFFFFE000  }
0x3d: {  	[tilespmem:s15], [sflag:$0x2] =	stream.indirect.gather [hbm4b:s6+s13], $0x40, s18, s13, $0xb8;
	[tilespmem:$0x1C000] =	vst v63  }
0x3e: {  	_ =	swait.ge [sflag:s28], $0x2000  }
0x3f: {  	[sflag:s28] =	ssyncset.done $0x0  }
0x40: {  	s30 =	simm.s32 $0x300;
	[sflag:s28] =	ssyncadd.s32 $0xFFFFE000  }
0x41: {  	[tilespmem:s17], [sflag:$0x3] =	stream.indirect.gather [hbm4b:s6+s13], $0x40, s30, s13, $0xb8;
	[tilespmem:$0x1C000] =	vst v63  }
0x42: {  	_ =	swait.ge [sflag:s29], $0x2000  }
0x43: {  	[sflag:s29] =	ssyncset.done $0x0  }
0x44: {  	s16 =	simm.s32 $0x800;
	s18 =	simm.s32 $0x380;
	[sflag:s29] =	ssyncadd.s32 $0xFFFFE000  }
.LBB2_2:
0x45: {  	[tilespmem:s19], [sflag:$0x4] =	stream.indirect.gather [hbm4b:s6+s13], $0x40, s18, s13, $0xb8;
	[tilespmem:$0x1C000] =	vst v63  }
0x46: {  	s18 =	smov.u32 s16  }
0x47: {  	p0 =	sne.s32 s16, $0x13000;
	s16 =	sadd.s32 $0x800, s16;
	_ =	swait.ge [sflag:s20], $0x2000  }
0x48: {  	s18 =	sshra.s32 s18, $0x2;
	[sflag:s20] =	ssyncset.done $0x0  }
0x49: {  	s30 =	sadd.s32 $0x5000, s18;
	[sflag:s20] =	ssyncadd.s32 $0xFFFFE000  }
0x4a: {  	[spmem:s2] =	stream.indirect.scatter.add.f32 [tilespmem:s14], [sflag:$0x5], $0x40, s30, s13, $0xb8;
	[tilespmem:$0x1C000] =	vst v63  }
0x4b: {  	_ =	swait.ge [sflag:s21], $0x2000  }
0x4c: {  	[sflag:s21] =	ssyncset.done $0x0  }
0x4d: {  	s30 =	sadd.s32 $0x5080, s18;
	[sflag:s21] =	ssyncadd.s32 $0xFFFFE000  }
0x4e: {  	[spmem:s2] =	stream.indirect.scatter.add.f32 [tilespmem:s15], [sflag:$0x6], $0x40, s30, s13, $0xb8;
	[tilespmem:$0x1C000] =	vst v63  }
0x4f: {  	_ =	swait.ge [sflag:s22], $0x2000  }
0x50: {  	[sflag:s22] =	ssyncset.done $0x0  }
0x51: {  	s30 =	sadd.s32 $0x5100, s18;
	[sflag:s22] =	ssyncadd.s32 $0xFFFFE000  }
0x52: {  	[spmem:s2] =	stream.indirect.scatter.add.f32 [tilespmem:s17], [sflag:$0x7], $0x40, s30, s13, $0xb8;
	[tilespmem:$0x1C000] =	vst v63  }
0x53: {  	_ =	swait.ge [sflag:s23], $0x2000  }
0x54: {  	[sflag:s23] =	ssyncset.done $0x0  }
0x55: {  	s30 =	sadd.s32 $0x5180, s18;
	[sflag:s23] =	ssyncadd.s32 $0xFFFFE000  }
0x56: {  	[spmem:s2] =	stream.indirect.scatter.add.f32 [tilespmem:s19], [sflag:$0x8], $0x40, s30, s13, $0xb8;
	[tilespmem:$0x1C000] =	vst v63  }
0x57: {  	_ =	swait.ge [sflag:s25], $0x2000  }
0x58: {  	[sflag:s25] =	ssyncset.done $0x0  }
0x59: {  	s30 =	sadd.s32 $0x200, s18;
	[sflag:s25] =	ssyncadd.s32 $0xFFFFE000  }
0x5a: {  	[tilespmem:s14], [sflag:$0x1] =	stream.indirect.gather [hbm4b:s6+s13], $0x40, s30, s13, $0xb8;
	[tilespmem:$0x1C000] =	vst v63  }
0x5b: {  	_ =	swait.ge [sflag:s26], $0x2000  }
0x5c: {  	[sflag:s26] =	ssyncset.done $0x0  }
0x5d: {  	s30 =	sadd.s32 $0x280, s18;
	[sflag:s26] =	ssyncadd.s32 $0xFFFFE000  }
0x5e: {  	[tilespmem:s15], [sflag:$0x2] =	stream.indirect.gather [hbm4b:s6+s13], $0x40, s30, s13, $0xb8;
	[tilespmem:$0x1C000] =	vst v63  }
0x5f: {  	_ =	swait.ge [sflag:s28], $0x2000  }
0x60: {  	[sflag:s28] =	ssyncset.done $0x0  }
.Ltmp0:
0x61: {  	s30 =	sadd.s32 $0x300, s18;
	[sflag:s28] =	ssyncadd.s32 $0xFFFFE000;
	(pc) =	sbr.rel @p0 .LBB2_2-.Ltmp0, $4  }
0x62: {  	[tilespmem:s17], [sflag:$0x3] =	stream.indirect.gather [hbm4b:s6+s13], $0x40, s30, s13, $0xb8;
	[tilespmem:$0x1C000] =	vst v63  }
0x63: {  	_ =	swait.ge [sflag:s29], $0x2000  }
0x64: {  	[sflag:s29] =	ssyncset.done $0x0  }
0x65: {  	s18 =	sadd.s32 $0x380, s18;
	[sflag:s29] =	ssyncadd.s32 $0xFFFFE000  }
0x66: {  	[tilespmem:s19], [sflag:$0x4] =	stream.indirect.gather [hbm4b:s6+s13], $0x40, s18, s13, $0xb8;
	[tilespmem:$0x1C000] =	vst v63  }
0x67: {  	_ =	swait.ge [sflag:s20], $0x2000  }
0x68: {  	[sflag:s20] =	ssyncset.done $0x0  }
0x69: {  	s16 =	simm.s32 $0x9E00;
	[sflag:s20] =	ssyncadd.s32 $0xFFFFE000  }
0x6a: {  	[spmem:s2] =	stream.indirect.scatter.add.f32 [tilespmem:s14], [sflag:$0x5], $0x40, s16, s13, $0xb8;
	[tilespmem:$0x1C000] =	vst v63  }
0x6b: {  	_ =	swait.ge [sflag:s21], $0x2000  }
0x6c: {  	[sflag:s21] =	ssyncset.done $0x0  }
0x6d: {  	[sflag:s21] =	ssyncadd.s32 $0xFFFFE000  }
0x6e: {  	[spmem:s2] =	stream.indirect.scatter.add.f32 [tilespmem:s15], [sflag:$0x6], $0x40, s31, s13, $0xb8;
	[tilespmem:$0x1C000] =	vst v63  }
0x6f: {  	_ =	swait.ge [sflag:s22], $0x2000  }
0x70: {  	[sflag:s22] =	ssyncset.done $0x0  }
0x71: {  	[sflag:s22] =	ssyncadd.s32 $0xFFFFE000  }
0x72: {  	[spmem:s2] =	stream.indirect.scatter.add.f32 [tilespmem:s17], [sflag:$0x7], $0x40, s0, s13, $0xb8;
	[tilespmem:$0x1C000] =	vst v63  }
0x73: {  	_ =	swait.ge [sflag:s23], $0x2000  }
0x74: {  	[sflag:s23] =	ssyncset.done $0x0  }
0x75: {  	[sflag:s23] =	ssyncadd.s32 $0xFFFFE000  }
0x76: {  	[spmem:s2] =	stream.indirect.scatter.add.f32 [tilespmem:s19], [sflag:$0x8], $0x40, s1, s13, $0xb8;
	[tilespmem:$0x1C000] =	vst v63  }
0x77: {  	_ =	swait.ge [sflag:s25], $0x2000  }
0x78: {  	[sflag:s25] =	ssyncset.done $0x0  }
0x79: {  	[sflag:s25] =	ssyncadd.s32 $0xFFFFE000  }
0x7a: {  	_ =	swait.ge [sflag:s26], $0x2000  }
0x7b: {  	[sflag:s26] =	ssyncset.done $0x0  }
0x7c: {  	[sflag:s26] =	ssyncadd.s32 $0xFFFFE000  }
0x7d: {  	_ =	swait.ge [sflag:s28], $0x2000  }
0x7e: {  	[sflag:s28] =	ssyncset.done $0x0  }
0x7f: {  	[sflag:s28] =	ssyncadd.s32 $0xFFFFE000  }
0x80: {  	_ =	swait.ge [sflag:s29], $0x2000  }
0x81: {  	s9 =	sadd.s32 $0x1, s9;
	[sflag:s29] =	ssyncset.done $0x0  }
0x82: {  	p0 =	sne.s32 s9, s7;
	[sflag:s29] =	ssyncadd.s32 $0xFFFFE000  }
.Ltmp1:
0x83: {  	[bflag:$0x0] =	sbarrier.arrive $0xFFFF;
	(pc) =	sbr.rel @p0 .LBB2_1-.Ltmp1, $4  }
0x84: {  	[hbm:s24], [sflag:s11] =	dma.local [spmem:s12], $0x1400  }
0x85: {  	_ =	swait.ge [sflag:s8], $0x1400  }
0x86: {  	[sflag:s8] =	ssyncset.done $0x0  }
0x87: {  	[sflag:s8] =	ssyncadd.s32 $0xFFFFEC00  }
0x88: {  	_ =	sfence.sel $0x180000  }
0x89: {  	[bflag:$0x0] =	sbarrier.arrive $0xFFFF  }
0x8a: {  	_ =	strace $0x9000004D  }
0x8b: {  	s0 =	stileid.u32;
	[bflag:$0x2] =	sbarrier.arrive $0xFFFF  }
0x8c: {  	p0 =	sne.s32 s0, $0x0;
	s0 =	rddreg [dreg:$0x3]  }
0x8d: {  	s0 =	sadd.s32 @!p0 $0x100000, s0  }
0x8e: {  	[sflag:s0] =	ssyncadd.tile.s32 @!p0 $0x1;
	_ =	shalt  }
.Lfunc_end2:
_tile_overlayer_lowered:
.L_overlay_start_2:
0x8f: {  	(tag) =	ssettag $0x2  }
0x90: {  	s0 =	rddreg [dreg:$0x0];
	s2 =	stileid.u32  }
0x91: {  	s1 =	rddreg [dreg:$0x1];
	p0 =	sne.s32 s2, $0x0  }
0x92: {  	s3 =	rddreg [dreg:$0x2];
	[bflag:$0x3] =	sbarrier.arrive $0xFFFF;
	s2 =	simm.s32 @!p0 $0x1C09  }
0x93: {  	[timem:s3], [sflag:s2] =	dma.local @!p0 [hbm:s0], s1  }
0x94: {  	s0 =	simm.s32 @!p0 $0x9  }
0x95: {  	_ =	swait.ge @!p0 [sflag:s0], s1  }
0x96: {  	s1 =	ssub.s32 @!p0 $0x0, s1;
	[sflag:s0] =	ssyncset.done @!p0 $0x0  }
0x97: {  	[sflag:s0] =	ssyncadd.s32 @!p0 s1  }
0x98: {  	[bflag:$0x3] =	sbarrier.arrive $0xFFFF  }
0x99: {  	_ =	shalt  }

// kernel: kernel.8.cloned.1.call-start
scs
__scs_entry_jumppad:
0x0: {  	(pc) =	sbr.rel $0x88, $3  }
0x1: {  	(tag) =	ssettag $0x0;
	lr =	simm.s32 $0x1  }
0x2: {  	[smem:$0x3F9B] =	sst lr;
	_ =	strace $0xD0000000  }
0x3: {  	_ = 	snop  }
0x4: {  	_ = 	snop  }
0x5: {  	_ = 	snop  }
0x6: {  	_ = 	snop  }
0x7: {  	_ = 	snop  }
__scs_overlays_trampoline_lowered:
0x8: {  	[smem:$0x3FAA] =	sst s0  }
0x9: {  	[smem:$0x3FAB] =	sst s1  }
0xa: {  	[smem:$0x3FAC] =	sst s2  }
0xb: {  	[smem:$0x3FAD] =	sst s3  }
0xc: {  	[smem:$0x3FAE] =	sst s4  }
0xd: {  	[smem:$0x3FAF] =	sst s5  }
0xe: {  	[smem:$0x3FB0] =	sst s6  }
0xf: {  	[smem:$0x3FB1] =	sst s7  }
0x10: {  	[smem:$0x3FB2] =	sst s8  }
0x11: {  	[smem:$0x3FB3] =	sst s9;
	s0 =	simm.s32 @!p0 $0x0  }
0x12: {  	s1 =	sld [smem:$0x3F99];
	s0 =	simm.s32 @p0 $0x1  }
0x13: {  	[smem:$0x3FB4] =	sst s0;
	s0 =	simm.s32 @!p1 $0x0  }
0x14: {  	s2 =	sld [smem:$0x3F98];
	s0 =	simm.s32 @p1 $0x1  }
0x15: {  	[smem:$0x3FB5] =	sst s0;
	s0 =	simm.s32 @!p2 $0x0  }
0x16: {  	s3 =	sld [smem:$0x3FDB];
	s0 =	simm.s32 @p2 $0x1  }
0x17: {  	s4 =	simm.s32 $0x1BF5;
	[smem:$0x3FB7] =	sst s0  }
0x18: {  	s0 =	sld [smem:$0x3F9A];
	_ =	swait.ge [sflag:s4], $0x0  }
0x19: {  	s7 =	sld [smem:$0x3F9B]  }
0x1a: {  	s8 =	sadd.s32 $0xFFFFE003, lr  }
0x1b: {  	s9 =	sadd.s32 $0xFFFFFEF7, lr;
	s5 =	simm.s32 $0xFFFFFFFF;
	p2 =	slt.u32 s8, $0xFFFFF086  }
0x1c: {  	p1 =	slt.u32 s9, $0xF7A;
	s5 =	simm.s32 @!p2 $0x0  }
0x1d: {  	s5 =	simm.s32 @p1 $0x1;
	p0 =	seq.s32 s7, s2  }
0x1e: {  	s7 =	smul.u32 @!p0 $0xF7A, s2;
	p2 =	seq.s32 @!p0 s5, $0x0  }
0x1f: {  	s9 =	smul.u32 $0xF7A, s1;
	s8 =	simm.s32 @!p0 $0x1BF5;
	p2 =	por !p2, p0  }
0x20: {  	[sflag:s8] =	ssyncset.s32 @!p0 $0xFFFFF086;
	s6 =	sadd.s32 @!p0 s3, s7;
	s7 =	simm.s32 @!p0 $0x108  }
0x21: {  	s3 =	sadd.s32 s3, s9;
	s6 =	sadd.s32 @!p0 $0x88, s6;
	s7 =	simm.s32 @p2 $0x1082  }
0x22: {  	[simem:s7], [sflag:s8] =	dma.local @!p0 [hbm:s6], $0xF7A  }
0x23: {  	s9 =	sor.u32 $0xD0000000, s2;
	s6 =	simm.s32 $0x108;
	_ =	swait.ge @!p0 [sflag:s8], $0x0  }
0x24: {  	s3 =	sadd.s32 $0x88, s3;
	s6 =	simm.s32 @!p1 $0x1082;
	[sflag:s4] =	ssyncset.s32 $0xFFFFF086  }
0x25: {  	[simem:s6], [sflag:s4] =	dma.local [hbm:s3], $0xF7A  }
0x26: {  	[smem:$0x3F9B] =	sst s1;
	(tag) =	ssettag s2;
	_ =	strace s9  }
0x27: {  	s1 =	sld [smem:$0x3FAB]  }
0x28: {  	s2 =	sld [smem:$0x3FAC]  }
0x29: {  	s4 =	sld [smem:$0x3FAE]  }
0x2a: {  	p0 =	seq.s32 s5, $0x0;
	s5 =	sld [smem:$0x3FAF]  }
0x2b: {  	s6 =	sld [smem:$0x3FB0]  }
0x2c: {  	s7 =	sld [smem:$0x3FB1]  }
0x2d: {  	s3 =	simm.s32 $0x108;
	s8 =	sld [smem:$0x3FB2]  }
0x2e: {  	s3 =	simm.s32 @!p0 $0x1082;
	s9 =	sld [smem:$0x3FB3]  }
0x2f: {  	lr =	sadd.s32 s0, s3;
	s0 =	sld [smem:$0x3FAA]  }
0x30: {  	s3 =	sld [smem:$0x3FAD]  }
0x31: {  	[smem:$0x3FB6] =	sst s10  }
0x32: {  	s10 =	sld [smem:$0x3FB4];
	_ =	sdelay $0x3  }
0x33: {  	p0 =	seq.s32 s10, $0x1;
	s10 =	sld [smem:$0x3FB6];
	_ =	sdelay $0x3  }
0x34: {  	[smem:$0x3FB6] =	sst s10  }
0x35: {  	s10 =	sld [smem:$0x3FB5];
	_ =	sdelay $0x3  }
0x36: {  	p1 =	seq.s32 s10, $0x1;
	s10 =	sld [smem:$0x3FB6];
	_ =	sdelay $0x3  }
0x37: {  	[smem:$0x3FB6] =	sst s10  }
0x38: {  	s10 =	sld [smem:$0x3FB7]  }
0x39: {  	_ = 	snop;
	(pc) =	sbr.ind lr, $3  }
0x3a: {  	_ = 	snop  }
0x3b: {  	_ = 	snop  }
0x3c: {  	p2 =	seq.s32 s10, $0x1;
	s10 =	sld [smem:$0x3FB6]  }
0x3d: {  	_ =	shalt  }
0x3e: {  	_ =	shalt  }
0x3f: {  	_ =	shalt  }
0x40: {  	_ =	shalt  }
0x41: {  	_ =	shalt  }
0x42: {  	_ =	shalt  }
0x43: {  	_ =	shalt  }
0x44: {  	_ =	shalt  }
0x45: {  	_ =	shalt  }
0x46: {  	_ =	shalt  }
0x47: {  	_ =	shalt  }
0x48: {  	_ =	shalt  }
0x49: {  	_ =	shalt  }
0x4a: {  	_ =	shalt  }
0x4b: {  	_ =	shalt  }
0x4c: {  	_ =	shalt  }
0x4d: {  	_ =	shalt  }
0x4e: {  	_ =	shalt  }
0x4f: {  	_ =	shalt  }
0x50: {  	_ =	shalt  }
0x51: {  	_ =	shalt  }
0x52: {  	_ =	shalt  }
0x53: {  	_ =	shalt  }
0x54: {  	_ =	shalt  }
0x55: {  	_ =	shalt  }
0x56: {  	_ =	shalt  }
0x57: {  	_ =	shalt  }
0x58: {  	_ =	shalt  }
0x59: {  	_ =	shalt  }
0x5a: {  	_ =	shalt  }
0x5b: {  	_ =	shalt  }
0x5c: {  	_ =	shalt  }
0x5d: {  	_ =	shalt  }
0x5e: {  	_ =	shalt  }
0x5f: {  	_ =	shalt  }
0x60: {  	_ =	shalt  }
0x61: {  	_ =	shalt  }
0x62: {  	_ =	shalt  }
0x63: {  	_ =	shalt  }
0x64: {  	_ =	shalt  }
0x65: {  	_ =	shalt  }
0x66: {  	_ =	shalt  }
0x67: {  	_ =	shalt  }
0x68: {  	_ =	shalt  }
0x69: {  	_ =	shalt  }
0x6a: {  	_ =	shalt  }
0x6b: {  	_ =	shalt  }
0x6c: {  	_ =	shalt  }
0x6d: {  	_ =	shalt  }
0x6e: {  	_ =	shalt  }
0x6f: {  	_ =	shalt  }
0x70: {  	_ =	shalt  }
0x71: {  	_ =	shalt  }
0x72: {  	_ =	shalt  }
0x73: {  	_ =	shalt  }
0x74: {  	_ =	shalt  }
0x75: {  	_ =	shalt  }
0x76: {  	_ =	shalt  }
0x77: {  	_ =	shalt  }
0x78: {  	_ =	shalt  }
0x79: {  	_ =	shalt  }
0x7a: {  	_ =	shalt  }
0x7b: {  	_ =	shalt  }
0x7c: {  	_ =	shalt  }
0x7d: {  	_ =	shalt  }
0x7e: {  	_ =	shalt  }
0x7f: {  	_ =	shalt  }
0x80: {  	_ =	shalt  }
0x81: {  	_ =	shalt  }
0x82: {  	_ =	shalt  }
0x83: {  	_ =	shalt  }
0x84: {  	_ =	shalt  }
0x85: {  	_ =	shalt  }
0x86: {  	_ =	shalt  }
0x87: {  	_ =	shalt  }
.Lfunc_end0:
.L_simem_size_0:
called_computation_lowered:
.L_overlay_start_0:
0x88: {  	s2 =	sld [smem:$0x3FD9]  }
0x89: {  	s3 =	sld [smem:$0x3FFE];
	_ =	sdelay $0x1  }
0x8a: {  	s1 =	srdreg.scid  }
0x8b: {  	s0 =	sand.u32 $0x1, s1  }
0x8c: {  	s16 =	sshll.u32 s0, $0xA;
	s2 =	sadd.s32 s3, s2  }
0x8d: {  	s2 =	sadd.s32 s2, s16  }
0x8e: {  	[smem:$0x3FC2] =	sst s2  }
0x8f: {  	_ = 	snop  }
0x90: {  	(tm) =	ssettm $0x1  }
0x91: {  	s17 =	sld [smem:$0x3FFB];
	_ =	sdelay $0x3  }
0x92: {  	_ =	strace s17  }
0x93: {  	s2 =	sld [smem:$0x3FFC];
	_ =	sdelay $0x3  }
0x94: {  	_ =	strace s2  }
0x95: {  	s2 =	sld [smem:$0x3FFD];
	_ =	sdelay $0x3  }
0x96: {  	_ =	strace s2  }
0x97: {  	_ =	strace $0x8FFFFFFF  }
0x98: {  	s18 =	sld [smem:$0x3FDB];
	_ =	sdelay $0x1  }
0x99: {  	s19 =	simm.s32 $_scs_section_size  }
0x9a: {  	s4 =	simm.s32 $_size__tile_overlayer_lowered;
	s5 =	simm.s32 $_tile_overlayer_lowered  }
0x9b: {  	s22 =	simm.s32 $0x1BFF;
	s21 =	sshll.u32 s5, $0x1;
	s2 =	sadd.s32 s19, s18  }
0x9c: {  	s6 =	simm.s32 $0x0;
	s20 =	sshll.u32 s4, $0x1;
	s4 =	sadd.s32 s21, s2  }
0x9d: {  	[timem:s6], [sflag:s22] =	dma.local [hbm:s4], s20  }
0x9e: {  	_ =	swait.ge [sflag:s22], s20  }
0x9f: {  	s3 =	ssub.s32 $0x0, s20;
	[sflag:s22] =	ssyncset.done $0x0  }
0xa0: {  	[sflag:s22] =	ssyncadd.s32 s3;
	_ =	sdelay $0x1  }
0xa1: {  	s23 =	simm.s32 $0x1B8B  }
0xa2: {  	_ =	swait.ge [sflag:s23], $0x1  }
0xa3: {  	[sflag:s23] =	ssyncset.done $0x0  }
0xa4: {  	s25 =	simm.s32 $0x1B8E;
	s24 =	sld [smem:$0x3FFE];
	[sflag:s23] =	ssyncadd.s32 $0xFFFFFFFF  }
0xa5: {  	s26 =	simm.s32 $execute0_lowered;
	[smem:$0x3FD2] =	sst s25  }
0xa6: {  	s4 =	sshll.u32 s26, $0x1;
	_ =	strace $0x80000046;
	[dreg:$0x1] =	wrdreg $0xFFFFFFFF  }
0xa7: {  	s28 =	simm.s32 $_size_execute0_lowered;
	s2 =	sadd.s32 s2, s4;
	[dreg:$0x0] =	wrdreg $0x0  }
0xa8: {  	s4 =	sshll.u32 s28, $0x1;
	[dreg:$0x2] =	wrdreg s2  }
0xa9: {  	[dreg:$0x3] =	wrdreg s4  }
0xaa: {  	[dreg:$0x4] =	wrdreg $0xC0  }
0xab: {  	_ =	task [dreg:s6], $0x5FFFF  }
0xac: {  	[dreg:$0x1] =	wrdreg $0xFFFFFFFF  }
0xad: {  	[dreg:$0x0] =	wrdreg $0x60  }
0xae: {  	[dreg:$0x2] =	wrdreg s24  }
0xaf: {  	[dreg:$0x3] =	wrdreg $0x2F800  }
0xb0: {  	[dreg:$0x4] =	wrdreg $0x9  }
0xb1: {  	_ =	task.clear_ibuf [dreg:s6], $0x5FFFF;
	_ =	strace $0x90000046  }
0xb2: {  	s29 =	simm.s32 $0x9;
	_ =	strace $0x80000048  }
0xb3: {  	_ =	swait.ge [sflag:s29], $0x1  }
0xb4: {  	[sflag:s29] =	ssyncadd.s32 $0xFFFFFFFF  }
0xb5: {  	_ =	strace $0x90000048  }
0xb6: {  	_ =	sfence  }
0xb7: {  	s30 =	sld [smem:$0x0];
	_ =	sdelay $0x2  }
0xb8: {  	s31 =	sshll.u32 s1, $0xD;
	s1 =	sshrl.u32 s1, $0x2  }
0xb9: {  	s3 =	sand.u32 $0x4000, s31;
	s1 =	sadd.s32 s1, s30  }
0xba: {  	s0 =	sor.u32 s3, s0;
	s1 =	sshll.u32 s1, $0x11  }
0xbb: {  	s0 =	sor.u32 s1, s0  }
0xbc: {  	s0 =	sadd.s32 $0x8F2B, s0  }
0xbd: {  	[sflag:s0] =	ssyncadd.remote.s32 $0x1  }
0xbe: {  	_ =	sfence.sel $0xFFFF  }
0xbf: {  	[dreg:$0x0] =	wrdreg $0xFFFFFFFF;
	(pc) =	sbr.abs _section_cstart, $3  }
0xc0: {  	[dreg:$0x1] =	wrdreg $0xFFFFFFFF  }
0xc1: {  	_ =	task.clear_ibuf [dreg:s6], $0x2FFFF;
	_ =	strace $0x9FFFFFFF  }
0xc2: {  	(tm) =	ssettm $0x7FFFFFFF  }
0xc3: {  	_ =	shalt  }
tec
execute0_lowered:
.L_overlay_start_1:
0x0: {  	(tag) =	ssettag $0x1  }
0x1: {  	s6 =	rddreg [dreg:$0x0]  }
0x2: {  	s1 =	rddreg [dreg:$0x1]  }
0x3: {  	s0 =	rddreg [dreg:$0x2];
	s2 =	simm.s32 $0x0;
	s3 =	srdreg.scid  }
0x4: {  	[smem:$0x7FF] =	sst s2;
	s7 =	sand.u32 $0x1, s3;
	s8 =	sadd.s32 $0x2200, s6  }
0x5: {  	s3 =	stileid.u32;
	s4 =	sadd.s32 $0xC000, s6;
	_ =	strace $0x80000047  }
0x6: {  	s5 =	sshll.u32 s7, $0x4;
	s9 =	smul.u32 $0x5000, s7;
	s7 =	ssub.s32 $0x2, s7  }
0x7: {  	s13 =	sshll.u32 s3, $0x4;
	s14 =	smul.u32 $0x2800, s3;
	s31 =	sshll.u32 s3, $0x6  }
0x8: {  	s10 =	sor.u32 s3, s5;
	s5 =	sadd.s32 $0xC200, s6;
	s12 =	sshrl.u32 s7, $0x1  }
0x9: {  	s29 =	sadd.s32 s13, s8;
	s13 =	simm.s32 $0x80;
	s11 =	smul.u32 $0x4E0, s10  }
0xa: {  	s9 =	sadd.s32 s9, s6;
	s12 =	ssub.s32 s7, s12;
	s7 =	sadd.s32 $0x9C00, s29  }
0xb: {  	s30 =	sadd.s32 s14, s1;
	s14 =	sshrl.u32 s14, $0x3;
	p0 =	sgt.u32 s10, $0x3  }
0xc: {  	s10 =	simm.s32 $0x2780;
	s15 =	sadd.s32 $0xC800, s9;
	s9 =	simm.s32 $0x1  }
0xd: {  	s6 =	sadd.s32 s8, s11;
	s8 =	smax.u32 s12, $0x1;
	s11 =	sor.u32 $0x1C01, s31  }
0xe: {  	s12 =	sshrl.u32 s30, $0x3;
	s14 =	sadd.s32 s14, s15;
	s15 =	simm.s32 $0x0  }
.LBB2_1:
0xf: {  	[tilespmem:s2], [sflag:$0x1] =	stream.linear.gather [hbm4b:s6+s2], $0x2700, $0x38;
	[tilespmem:$0x5780] =	vst v63  }
0x10: {  	_ =	swait.ge [sflag:s9], $0x2700  }
0x11: {  	[sflag:s9] =	ssyncset.done $0x0  }
0x12: {  	s16 =	simm.s32 @!p0 $0x0;
	s17 =	simm.s32 @!p0 $0x2700;
	[sflag:s9] =	ssyncadd.s32 $0xFFFFD900  }
0x13: {  	[tilespmem:s17], [sflag:$0x1] =	stream.linear.gather @!p0 [hbm4b:s7+s16], $0x80, $0x38;
	[tilespmem:$0x5780] =	vst v63  }
0x14: {  	s16 =	simm.s32 @!p0 $0x1  }
0x15: {  	_ =	swait.ge @!p0 [sflag:s16], $0x80  }
0x16: {  	[sflag:s16] =	ssyncset.done @!p0 $0x0  }
0x17: {  	[sflag:s16] =	ssyncadd.s32 @!p0 $0xFFFFFF80  }
0x18: {  	[tilespmem:s10], [sflag:$0x1] =	stream.linear.gather [hbm4b:s4+s2], $0x800, $0x38;
	[tilespmem:$0x5780] =	vst v63  }
0x19: {  	_ =	swait.ge [sflag:s9], $0x800  }
0x1a: {  	[sflag:s9] =	ssyncset.done $0x0  }
0x1b: {  	[sflag:s9] =	ssyncadd.s32 $0xFFFFF800  }
0x1c: {  	[spmem:s12], [sflag:s11] =	dma.local [hbm:s5], $0x500  }
0x1d: {  	_ =	swait.ge [sflag:s9], $0x500  }
0x1e: {  	[sflag:s9] =	ssyncset.done $0x0  }
0x1f: {  	[sflag:s9] =	ssyncadd.s32 $0xFFFFFB00  }
0x20: {  	s31 =	simm.s32 $0x0;
	[bflag:$0x0] =	sbarrier.arrive $0xFFFF  }
0x21: {  	[spmem:s1] =	stream.indirect.scatter.add.f32 [tilespmem:s10], [sflag:$0x1], $0x10, s31, s13, $0xb8;
	[tilespmem:$0x5780] =	vst v63  }
0x22: {  	_ =	swait.ge [sflag:s9], $0x800  }
0x23: {  	s16 =	simm.s32 $0x200;
	[sflag:s9] =	ssyncset.done $0x0  }
.LBB2_2:
0x24: {  	s17 =	sshra.s32 s16, $0x2;
	[sflag:s9] =	ssyncadd.s32 $0xFFFFF800;
	p1 =	sne.s32 s16, $0x9A00  }
0x25: {  	[spmem:s1] =	stream.indirect.scatter.add.f32 [tilespmem:s10], [sflag:$0x1], $0x10, s17, s13, $0xb8;
	[tilespmem:$0x5780] =	vst v63  }
.Ltmp0:
0x26: {  	_ = 	snop;
	(pc) =	sbr.rel @p1 .LBB2_2-.Ltmp0, $4  }
0x27: {  	_ = 	snop  }
0x28: {  	s16 =	sadd.s32 $0x200, s16  }
0x29: {  	_ =	swait.ge [sflag:s9], $0x800  }
0x2a: {  	[sflag:s9] =	ssyncset.done $0x0  }
0x2b: {  	[sflag:s9] =	ssyncadd.s32 $0xFFFFF800  }
0x2c: {  	s16 =	simm.s32 @!p0 $0x80;
	s17 =	simm.s32 @!p0 $0x2700;
	s18 =	simm.s32 @!p0 $0x2780  }
0x2d: {  	[spmem:s1] =	stream.indirect.scatter.add.f32 @!p0 [tilespmem:s18], [sflag:$0x1], $0x10, s17, s16, $0xb8;
	[tilespmem:$0x5780] =	vst v63  }
0x2e: {  	s16 =	simm.s32 @!p0 $0x1  }
0x2f: {  	_ =	swait.ge @!p0 [sflag:s16], $0x800  }
0x30: {  	s15 =	sadd.s32 $0x1, s15;
	[sflag:s16] =	ssyncset.done @!p0 $0x0  }
0x31: {  	p1 =	sne.s32 s15, s8;
	[sflag:s16] =	ssyncadd.s32 @!p0 $0xFFFFF800  }
.Ltmp1:
0x32: {  	[bflag:$0x0] =	sbarrier.arrive $0xFFFF;
	(pc) =	sbr.rel @p1 .LBB2_1-.Ltmp1, $4  }
0x33: {  	[hbm:s14], [sflag:s11] =	dma.local [spmem:s12], $0x500  }
0x34: {  	_ =	swait.ge [sflag:s9], $0x500  }
0x35: {  	[sflag:s9] =	ssyncset.done $0x0  }
0x36: {  	[sflag:s9] =	ssyncadd.s32 $0xFFFFFB00  }
0x37: {  	_ =	sfence.sel $0x180000  }
0x38: {  	[bflag:$0x0] =	sbarrier.arrive $0xFFFF  }
0x39: {  	p0 =	sne.s32 s3, $0x0;
	_ =	strace $0x90000047  }
0x3a: {  	s0 =	sadd.s32 @!p0 $0x100000, s0;
	[bflag:$0x2] =	sbarrier.arrive $0xFFFF  }
0x3b: {  	[sflag:s0] =	ssyncadd.tile.s32 @!p0 $0x1;
	_ =	shalt  }
.Lfunc_end2:
_tile_overlayer_lowered:
.L_overlay_start_2:
0x3c: {  	(tag) =	ssettag $0x2  }
0x3d: {  	s0 =	rddreg [dreg:$0x0];
	s2 =	stileid.u32  }
0x3e: {  	s1 =	rddreg [dreg:$0x1];
	p0 =	sne.s32 s2, $0x0  }
0x3f: {  	s3 =	rddreg [dreg:$0x2];
	[bflag:$0x3] =	sbarrier.arrive $0xFFFF;
	s2 =	simm.s32 @!p0 $0x1C01  }
0x40: {  	[timem:s3], [sflag:s2] =	dma.local @!p0 [hbm:s0], s1  }
0x41: {  	s0 =	simm.s32 @!p0 $0x1  }
0x42: {  	_ =	swait.ge @!p0 [sflag:s0], s1  }
0x43: {  	s1 =	ssub.s32 @!p0 $0x0, s1;
	[sflag:s0] =	ssyncset.done @!p0 $0x0  }
0x44: {  	[sflag:s0] =	ssyncadd.s32 @!p0 s1  }
0x45: {  	[bflag:$0x3] =	sbarrier.arrive $0xFFFF  }
0x46: {  	_ =	shalt  }

</sc_bundles>
